<compile_context>
chip_gen: v7x
topology: tpu7x:2x2x1
jax: 0.10.2.dev20260603
libtpu: 0.0.44.dev20260713+nightly
codegen_flags: <defaults>
</compile_context>

<pallas_src>
import functools

import jax
import jax.numpy as jnp
from jax import lax
from jax.experimental import pallas as pl
from jax.experimental.pallas import tpu as pltpu
from jax.experimental.pallas import tpu_sc as plsc

N_BATCH = 1024
CELLS = 49
CH = 30
PCH = 10
TCH = 9
RCH = 16
NC, NS, L = 2, 16, 16
NW = NC * NS
BCHUNK = 128
NCHUNK = N_BATCH // BCHUNK
UNITS = CELLS * NCHUNK
KMAX = -(-UNITS // NW)

L_COORD = 5.0
L_NOOBJ = 0.5


def _newton_sqrt(x):
    i = lax.bitcast_convert_type(x, jnp.uint32)
    i = jnp.uint32(0x5F3759DF) - (i >> jnp.uint32(1))
    r = lax.bitcast_convert_type(i, jnp.float32)
    d = x * r * r
    r = 0.125 * r * (15.0 - d * (10.0 - 3.0 * d))
    return x * r


def _sq(x):
    return x * x


def _cell_loss(p, t, sqrt_fn):
    conf = t[4]
    noo = 1.0 - conf

    sq4 = _sq(p[4] - conf)
    sq9 = _sq(p[9] - conf)
    nooobj = noo * (sq4 + sq9)

    b2minx = t[0] - 0.5 * t[2]
    b2maxx = t[0] + 0.5 * t[2]
    b2miny = t[1] - 0.5 * t[3]
    b2maxy = t[1] + 0.5 * t[3]
    area2 = t[2] * t[3]

    def iou_parts(off):
        hx = 0.5 * p[off + 2]
        hy = 0.5 * p[off + 3]
        whx = jnp.minimum(p[off] + hx, b2maxx) - jnp.maximum(p[off] - hx, b2minx)
        why = jnp.minimum(p[off + 1] + hy, b2maxy) - jnp.maximum(p[off + 1] - hy, b2miny)
        inter = jnp.where((whx < 0) & (why < 0), 1.0, 0.0)
        area1 = p[off + 2] * p[off + 3]
        return inter, area1 + area2 - inter

    i0, d0 = iou_parts(0)
    i1, d1 = iou_parts(5)
    j1 = (i1 * d0 - i0 * d1) * (d0 * d1) > 0

    contain = conf * jnp.where(j1, sq9, sq4)
    dx = jnp.where(j1, p[5] - t[5], p[0] - t[0])
    dy = jnp.where(j1, p[6] - t[6], p[1] - t[1])
    loc_xy = _sq(dx) + _sq(dy)
    rp2 = jnp.where(j1, p[7], p[2])
    rt2 = jnp.where(j1, t[7], t[2])
    rp3 = jnp.where(j1, p[8], p[3])
    rt3 = jnp.where(j1, t[8], t[3])
    loc_wh = (rp2 + rt2 + rp3 + rt3
              - 2.0 * (sqrt_fn(rp2 * rt2) + sqrt_fn(rp3 * rt3)))

    terms = [_sq(p[c] - t[c]) for c in range(10, CH)]
    while len(terms) > 1:
        terms = [a + b for a, b in zip(terms[::2], terms[1::2])] + (
            [terms[-1]] if len(terms) & 1 else [])
    class_sq = terms[0]

    return ((L_COORD * (loc_xy + loc_wh) + class_sq) * conf
            + (contain + L_NOOBJ * nooobj))


@functools.cache
def _loss_partials_fn():
    mesh = plsc.VectorSubcoreMesh(
        core_axis_name="c", subcore_axis_name="s",
        num_cores=NC, num_subcores=NS)

    @functools.partial(
        pl.kernel,
        out_type=jax.ShapeDtypeStruct((NW, L), jnp.float32),
        mesh=mesh,
        scratch_types=[
            pltpu.VMEM((CH, BCHUNK), jnp.float32),
            pltpu.VMEM((CH, BCHUNK), jnp.float32),
            pltpu.VMEM((CH, BCHUNK), jnp.float32),
            pltpu.VMEM((CH, BCHUNK), jnp.float32),
            pltpu.VMEM((L,), jnp.float32),
            pltpu.SemaphoreType.DMA,
            pltpu.SemaphoreType.DMA,
        ],
        compiler_params=pltpu.CompilerParams(needs_layout_passes=False),
    )
    def _loss_partials(pred_hbm, tgt_hbm, out_hbm, pred_v0, pred_v1,
                       tgt_v0, tgt_v1, acc_v, sem0, sem1):
        wid = lax.axis_index("s") * NC + lax.axis_index("c")

        def slices(u):
            u = jnp.minimum(u, UNITS - 1)
            cell = u >> 3
            chunk = u & (NCHUNK - 1)
            i = cell // 7
            j = cell - i * 7
            b0 = pl.multiple_of(chunk * BCHUNK, BCHUNK)
            return i, j, b0

        def issue(u, pbuf, tbuf, sem):
            i, j, b0 = slices(u)
            pltpu.async_copy(pred_hbm.at[i, j, :, pl.ds(b0, BCHUNK)],
                             pbuf, sem)
            pltpu.async_copy(tgt_hbm.at[i, j, :, pl.ds(b0, BCHUNK)],
                             tbuf, sem)

        def wait(u, pbuf, tbuf, sem):
            i, j, b0 = slices(u)
            pltpu.make_async_copy(pred_hbm.at[i, j, :, pl.ds(b0, BCHUNK)],
                                  pbuf, sem).wait()
            pltpu.make_async_copy(tgt_hbm.at[i, j, :, pl.ds(b0, BCHUNK)],
                                  tbuf, sem).wait()

        def compute(pbuf, tbuf):
            def g_body(g, a):
                p = [pbuf[c, pl.ds(g * L, L)] for c in range(CH)]
                t = [tbuf[c, pl.ds(g * L, L)] for c in range(CH)]
                return a + _cell_loss(p, t, _newton_sqrt)

            return lax.fori_loop(0, BCHUNK // L, g_body,
                                 jnp.zeros((L,), jnp.float32))

        issue(wid, pred_v0, tgt_v0, sem0)
        issue(wid + NW, pred_v1, tgt_v1, sem1)

        def pair(kk, acc):
            u0 = wid + NW * 2 * kk
            u1 = u0 + NW
            wait(u0, pred_v0, tgt_v0, sem0)
            acc = acc + jnp.where(u0 < UNITS, compute(pred_v0, tgt_v0), 0.0)
            issue(u0 + 2 * NW, pred_v0, tgt_v0, sem0)
            wait(u1, pred_v1, tgt_v1, sem1)
            acc = acc + jnp.where(u1 < UNITS, compute(pred_v1, tgt_v1), 0.0)
            issue(u1 + 2 * NW, pred_v1, tgt_v1, sem1)
            return acc

        npairs = -(-UNITS // (2 * NW))
        acc = lax.fori_loop(0, npairs, pair, jnp.zeros((L,), jnp.float32))
        wait(wid + NW * 2 * npairs, pred_v0, tgt_v0, sem0)
        wait(wid + NW * 2 * npairs + NW, pred_v1, tgt_v1, sem1)

        acc_v[...] = acc
        pltpu.sync_copy(acc_v, out_hbm.at[wid])

    return _loss_partials


def kernel(pred_tensor, target_tensor):
    pt = jnp.transpose(pred_tensor, (1, 2, 3, 0))
    tt = jnp.transpose(target_tensor, (1, 2, 3, 0))
    parts = _loss_partials_fn()(pt, tt)
    return jnp.sum(parts) * jnp.float32(1.0 / N_BATCH)

# --- scband reference (transcript-rebuilt; emitter-appended) ---
"""Pipeline reference for scband-yolov1-loss-80384607912704 (READ-ONLY COPY).

The authoritative reference and input builder live on the scoring server;
editing this copy changes nothing except your own understanding.
"""

import jax, jax.numpy as jnp
import numpy as np

L_COORD = 5.0
L_NOOBJ = 0.5


def setup_inputs(seed: int = 0) -> dict:
    key = jax.random.key(seed)
    k1, k2, k3, k4 = jax.random.split(key, 4)
    N = 1024
    # pred must have positive w,h (sqrt in loss); uniform(0.05, 0.95)
    pred = jax.random.uniform(k1, (N, 7, 7, 30), dtype=jnp.float32, minval=0.05, maxval=0.95)
    boxes = jax.random.uniform(k2, (N, 7, 7, 10), dtype=jnp.float32, minval=0.1, maxval=0.9)
    classes = jax.random.uniform(k3, (N, 7, 7, 20), dtype=jnp.float32)
    # ~30% of cells contain an object; target conf (channels 4 and 9) is 0/1
    conf = (jax.random.uniform(k4, (N, 7, 7)) < 0.3).astype(jnp.float32)
    target = jnp.concatenate([boxes, classes], axis=-1)
    target = target.at[..., 4].set(conf).at[..., 9].set(conf)
    return {"pred_tensor": pred, "target_tensor": target}


def _yolo_loss(pred, target, coo_mask, noo_mask):
    N = pred.shape[0]
    flat_p = pred.reshape(-1, 30)
    flat_t = target.reshape(-1, 30)
    coo_w = coo_mask.astype(jnp.float32)
    noo_w = noo_mask.astype(jnp.float32)
    class_pred = flat_p[:, 10:]
    class_target = flat_t[:, 10:]
    # no-object loss: only conf channels 4 and 9 of noo cells
    cidx = jnp.array([4, 9])
    nooobj_loss = jnp.sum(noo_w[:, None] * (flat_p[:, cidx] - flat_t[:, cidx]) ** 2)
    # vectorized version of the pairwise (step=2) responsibility loop
    bp = flat_p[:, :10].reshape(-1, 2, 5)
    bt = flat_t[:, :10].reshape(-1, 2, 5)
    b1min = bp[:, :, :2] - 0.5 * bp[:, :, 2:4]
    b1max = bp[:, :, :2] + 0.5 * bp[:, :, 2:4]
    box2 = bt[:, 0, :]
    b2min = box2[:, :2] - 0.5 * box2[:, 2:4]
    b2max = box2[:, :2] + 0.5 * box2[:, 2:4]
    lt = jnp.maximum(b1min, b2min[:, None, :])
    rb = jnp.minimum(b1max, b2max[:, None, :])
    wh = rb - lt
    # NOTE: faithful to original code's bug: wh replaced by (wh < 0) indicator
    wh = (wh < 0).astype(jnp.float32)
    inter = wh[..., 0] * wh[..., 1]
    area1 = (b1max[..., 0] - b1min[..., 0]) * (b1max[..., 1] - b1min[..., 1])
    area2 = ((b2max[:, 0] - b2min[:, 0]) * (b2max[:, 1] - b2min[:, 1]))[:, None]
    iou = inter / (area1 + area2 - inter)
    max_index = jnp.argmax(iou, axis=1)
    resp_p = jnp.take_along_axis(bp, max_index[:, None, None], axis=1)[:, 0, :]
    resp_t = jnp.take_along_axis(bt, max_index[:, None, None], axis=1)[:, 0, :]
    contain_loss = jnp.sum(coo_w * (resp_p[:, 4] - resp_t[:, 4]) ** 2)
    loc_loss = jnp.sum(coo_w[:, None] * (resp_p[:, :2] - resp_t[:, :2]) ** 2) + jnp.sum(
        coo_w[:, None] * (jnp.sqrt(resp_p[:, 2:4]) - jnp.sqrt(resp_t[:, 2:4])) ** 2)
    class_loss = jnp.sum(coo_w[:, None] * (class_pred - class_target) ** 2)
    return (L_COORD * loc_loss + contain_loss + L_NOOBJ * nooobj_loss + class_loss) / N


def reference(pred_tensor, target_tensor):
    conf = target_tensor[:, :, :, 4].reshape(-1)
    coo_mask = conf > 0
    noo_mask = conf == 0
    return _yolo_loss(pred_tensor, target_tensor, coo_mask, noo_mask)

if __name__ == "__main__":
    import jax
    _d = setup_inputs()
    print(jax.jit(kernel)(*tuple(_d.values())))

</pallas_src>

<mosaic_0001>
#map = affine_map<(d0, d1) -> (0, 0, 0, 0)>
#map1 = affine_map<(d0, d1) -> (0, 0)>
module attributes {stable_mosaic.version = 14 : i64} {
  func.func @_loss_partials(%arg0: i32, %arg1: i32, %arg2: memref<7x7x30x1024xf32, #tpu.memory_space<hbm>>, %arg3: memref<7x7x30x1024xf32, #tpu.memory_space<hbm>>, %arg4: memref<32x16xf32, #tpu.memory_space<hbm>>, %arg5: memref<30x128xf32, #tpu.memory_space<vmem>>, %arg6: memref<30x128xf32, #tpu.memory_space<vmem>>, %arg7: memref<30x128xf32, #tpu.memory_space<vmem>>, %arg8: memref<30x128xf32, #tpu.memory_space<vmem>>, %arg9: memref<16xf32, #tpu.memory_space<vmem>>, %arg10: memref<!tpu.dma_semaphore, #tpu.memory_space<semaphore_mem>>, %arg11: memref<!tpu.dma_semaphore, #tpu.memory_space<semaphore_mem>>) attributes {dimension_semantics = [#tpu.dimension_semantics<core_parallel>, #tpu.dimension_semantics<subcore_parallel>], iteration_bounds = array<i64: 2, 16>, scalar_prefetch = 0 : i64, scratch_operands = 7 : i64, tpu.core_type = #tpu.core_type<sc_vector_subcore>, window_params = [{transform_indices = #map}, {transform_indices = #map}, {transform_indices = #map1}]} {
    %mul3A = arith.constant 2 : i32
    %mul3A_0 = arith.muli %arg1, %mul3A : i32
    %add3A = arith.addi %mul3A_0, %arg0 : i32
    %min3A = arith.constant 391 : i32
    %min3A_1 = arith.minsi %add3A, %min3A : i32
    %shift_right_arithmetic3A = arith.constant 3 : i32
    %shift_right_arithmetic3A_2 = arith.shrsi %min3A_1, %shift_right_arithmetic3A : i32
    %and3A = arith.constant 7 : i32
    %and3A_3 = arith.andi %min3A_1, %and3A : i32
    %jit3A = arith.constant 7 : i32
    %div3A = arith.divsi %shift_right_arithmetic3A_2, %jit3A : i32
    %sign3A = arith.constant 0 : i32
    %sign3A_4 = arith.cmpi sgt, %shift_right_arithmetic3A_2, %sign3A : i32
    %sign3A_5 = arith.extui %sign3A_4 : i1 to i32
    %sign3A_6 = arith.constant 0 : i32
    %sign3A_7 = arith.cmpi slt, %shift_right_arithmetic3A_2, %sign3A_6 : i32
    %sign3A_8 = arith.extui %sign3A_7 : i1 to i32
    %sign3A_9 = arith.subi %sign3A_5, %sign3A_8 : i32
    %sign3A_10 = arith.constant 0 : i32
    %sign3A_11 = arith.cmpi sgt, %jit3A, %sign3A_10 : i32
    %sign3A_12 = arith.extui %sign3A_11 : i1 to i32
    %sign3A_13 = arith.constant 0 : i32
    %sign3A_14 = arith.cmpi slt, %jit3A, %sign3A_13 : i32
    %sign3A_15 = arith.extui %sign3A_14 : i1 to i32
    %sign3A_16 = arith.subi %sign3A_12, %sign3A_15 : i32
    %ne3A = arith.cmpi ne, %sign3A_9, %sign3A_16 : i32
    %rem3A = arith.remsi %shift_right_arithmetic3A_2, %jit3A : i32
    %ne3A_17 = arith.constant 0 : i32
    %ne3A_18 = arith.cmpi ne, %rem3A, %ne3A_17 : i32
    %and3A_19 = arith.andi %ne3A, %ne3A_18 : i1
    %sub3A = arith.constant 1 : i32
    %sub3A_20 = arith.subi %div3A, %sub3A : i32
    %select_n3A = arith.select %and3A_19, %sub3A_20, %div3A : i32
    %mul3A_21 = arith.constant 7 : i32
    %mul3A_22 = arith.muli %select_n3A, %mul3A_21 : i32
    %sub3A_23 = arith.subi %shift_right_arithmetic3A_2, %mul3A_22 : i32
    %mul3A_24 = arith.constant 128 : i32
    %mul3A_25 = arith.muli %and3A_3, %mul3A_24 : i32
    %multiple_of3A = tpu.assume_multiple %mul3A_25, 128 : i32
    %dma_start3A = arith.constant 0 : i32
    %dma_start3A_26 = tpu.memref_slice %arg2[%select_n3A, %sub3A_23, %dma_start3A, %multiple_of3A] : memref<7x7x30x1024xf32, #tpu.memory_space<hbm>> -> memref<1x1x30x128xf32, #tpu.memory_space<hbm>>
    %dma_start3A_27 = tpu.memref_squeeze %dma_start3A_26 : memref<1x1x30x128xf32, #tpu.memory_space<hbm>> -> memref<30x128xf32, #tpu.memory_space<hbm>>
    %dma_start3A_28 = arith.constant 0 : i32
    %dma_start3A_29 = tpu.memref_slice %arg2[%select_n3A, %sub3A_23, %dma_start3A_28, %multiple_of3A] : memref<7x7x30x1024xf32, #tpu.memory_space<hbm>> -> memref<1x1x30x128xf32, #tpu.memory_space<hbm>>
    %dma_start3A_30 = tpu.memref_squeeze %dma_start3A_29 : memref<1x1x30x128xf32, #tpu.memory_space<hbm>> -> memref<30x128xf32, #tpu.memory_space<hbm>>
    tpu.enqueue_dma source(%dma_start3A_30 : memref<30x128xf32, #tpu.memory_space<hbm>>) target(%arg5 : memref<30x128xf32, #tpu.memory_space<vmem>>) target_semaphore(%arg10 : memref<!tpu.dma_semaphore, #tpu.memory_space<semaphore_mem>>)
    %dma_start3A_31 = arith.constant 0 : i32
    %dma_start3A_32 = tpu.memref_slice %arg3[%select_n3A, %sub3A_23, %dma_start3A_31, %multiple_of3A] : memref<7x7x30x1024xf32, #tpu.memory_space<hbm>> -> memref<1x1x30x128xf32, #tpu.memory_space<hbm>>
    %dma_start3A_33 = tpu.memref_squeeze %dma_start3A_32 : memref<1x1x30x128xf32, #tpu.memory_space<hbm>> -> memref<30x128xf32, #tpu.memory_space<hbm>>
    %dma_start3A_34 = arith.constant 0 : i32
    %dma_start3A_35 = tpu.memref_slice %arg3[%select_n3A, %sub3A_23, %dma_start3A_34, %multiple_of3A] : memref<7x7x30x1024xf32, #tpu.memory_space<hbm>> -> memref<1x1x30x128xf32, #tpu.memory_space<hbm>>
    %dma_start3A_36 = tpu.memref_squeeze %dma_start3A_35 : memref<1x1x30x128xf32, #tpu.memory_space<hbm>> -> memref<30x128xf32, #tpu.memory_space<hbm>>
    tpu.enqueue_dma source(%dma_start3A_36 : memref<30x128xf32, #tpu.memory_space<hbm>>) target(%arg7 : memref<30x128xf32, #tpu.memory_space<vmem>>) target_semaphore(%arg10 : memref<!tpu.dma_semaphore, #tpu.memory_space<semaphore_mem>>)
    %add3A_37 = arith.constant 32 : i32
    %add3A_38 = arith.addi %add3A, %add3A_37 : i32
    %min3A_39 = arith.constant 391 : i32
    %min3A_40 = arith.minsi %add3A_38, %min3A_39 : i32
    %shift_right_arithmetic3A_41 = arith.constant 3 : i32
    %shift_right_arithmetic3A_42 = arith.shrsi %min3A_40, %shift_right_arithmetic3A_41 : i32
    %and3A_43 = arith.constant 7 : i32
    %and3A_44 = arith.andi %min3A_40, %and3A_43 : i32
    %jit3A_45 = arith.constant 7 : i32
    %div3A_46 = arith.divsi %shift_right_arithmetic3A_42, %jit3A_45 : i32
    %sign3A_47 = arith.constant 0 : i32
    %sign3A_48 = arith.cmpi sgt, %shift_right_arithmetic3A_42, %sign3A_47 : i32
    %sign3A_49 = arith.extui %sign3A_48 : i1 to i32
    %sign3A_50 = arith.constant 0 : i32
    %sign3A_51 = arith.cmpi slt, %shift_right_arithmetic3A_42, %sign3A_50 : i32
    %sign3A_52 = arith.extui %sign3A_51 : i1 to i32
    %sign3A_53 = arith.subi %sign3A_49, %sign3A_52 : i32
    %sign3A_54 = arith.constant 0 : i32
    %sign3A_55 = arith.cmpi sgt, %jit3A_45, %sign3A_54 : i32
    %sign3A_56 = arith.extui %sign3A_55 : i1 to i32
    %sign3A_57 = arith.constant 0 : i32
    %sign3A_58 = arith.cmpi slt, %jit3A_45, %sign3A_57 : i32
    %sign3A_59 = arith.extui %sign3A_58 : i1 to i32
    %sign3A_60 = arith.subi %sign3A_56, %sign3A_59 : i32
    %ne3A_61 = arith.cmpi ne, %sign3A_53, %sign3A_60 : i32
    %rem3A_62 = arith.remsi %shift_right_arithmetic3A_42, %jit3A_45 : i32
    %ne3A_63 = arith.constant 0 : i32
    %ne3A_64 = arith.cmpi ne, %rem3A_62, %ne3A_63 : i32
    %and3A_65 = arith.andi %ne3A_61, %ne3A_64 : i1
    %sub3A_66 = arith.constant 1 : i32
    %sub3A_67 = arith.subi %div3A_46, %sub3A_66 : i32
    %select_n3A_68 = arith.select %and3A_65, %sub3A_67, %div3A_46 : i32
    %mul3A_69 = arith.constant 7 : i32
    %mul3A_70 = arith.muli %select_n3A_68, %mul3A_69 : i32
    %sub3A_71 = arith.subi %shift_right_arithmetic3A_42, %mul3A_70 : i32
    %mul3A_72 = arith.constant 128 : i32
    %mul3A_73 = arith.muli %and3A_44, %mul3A_72 : i32
    %multiple_of3A_74 = tpu.assume_multiple %mul3A_73, 128 : i32
    %dma_start3A_75 = arith.constant 0 : i32
    %dma_start3A_76 = tpu.memref_slice %arg2[%select_n3A_68, %sub3A_71, %dma_start3A_75, %multiple_of3A_74] : memref<7x7x30x1024xf32, #tpu.memory_space<hbm>> -> memref<1x1x30x128xf32, #tpu.memory_space<hbm>>
    %dma_start3A_77 = tpu.memref_squeeze %dma_start3A_76 : memref<1x1x30x128xf32, #tpu.memory_space<hbm>> -> memref<30x128xf32, #tpu.memory_space<hbm>>
    %dma_start3A_78 = arith.constant 0 : i32
    %dma_start3A_79 = tpu.memref_slice %arg2[%select_n3A_68, %sub3A_71, %dma_start3A_78, %multiple_of3A_74] : memref<7x7x30x1024xf32, #tpu.memory_space<hbm>> -> memref<1x1x30x128xf32, #tpu.memory_space<hbm>>
    %dma_start3A_80 = tpu.memref_squeeze %dma_start3A_79 : memref<1x1x30x128xf32, #tpu.memory_space<hbm>> -> memref<30x128xf32, #tpu.memory_space<hbm>>
    tpu.enqueue_dma source(%dma_start3A_80 : memref<30x128xf32, #tpu.memory_space<hbm>>) target(%arg6 : memref<30x128xf32, #tpu.memory_space<vmem>>) target_semaphore(%arg11 : memref<!tpu.dma_semaphore, #tpu.memory_space<semaphore_mem>>)
    %dma_start3A_81 = arith.constant 0 : i32
    %dma_start3A_82 = tpu.memref_slice %arg3[%select_n3A_68, %sub3A_71, %dma_start3A_81, %multiple_of3A_74] : memref<7x7x30x1024xf32, #tpu.memory_space<hbm>> -> memref<1x1x30x128xf32, #tpu.memory_space<hbm>>
    %dma_start3A_83 = tpu.memref_squeeze %dma_start3A_82 : memref<1x1x30x128xf32, #tpu.memory_space<hbm>> -> memref<30x128xf32, #tpu.memory_space<hbm>>
    %dma_start3A_84 = arith.constant 0 : i32
    %dma_start3A_85 = tpu.memref_slice %arg3[%select_n3A_68, %sub3A_71, %dma_start3A_84, %multiple_of3A_74] : memref<7x7x30x1024xf32, #tpu.memory_space<hbm>> -> memref<1x1x30x128xf32, #tpu.memory_space<hbm>>
    %dma_start3A_86 = tpu.memref_squeeze %dma_start3A_85 : memref<1x1x30x128xf32, #tpu.memory_space<hbm>> -> memref<30x128xf32, #tpu.memory_space<hbm>>
    tpu.enqueue_dma source(%dma_start3A_86 : memref<30x128xf32, #tpu.memory_space<hbm>>) target(%arg8 : memref<30x128xf32, #tpu.memory_space<vmem>>) target_semaphore(%arg11 : memref<!tpu.dma_semaphore, #tpu.memory_space<semaphore_mem>>)
    %broadcast_in_dim3A = arith.constant 0.000000e+00 : f32
    %broadcast_in_dim3A_87 = vector.broadcast %broadcast_in_dim3A : f32 to vector<16xf32>
    %scan3A = arith.constant 0 : i32
    %scan3A_88 = arith.constant 7 : i32
    %scan3A_89 = arith.addi %scan3A, %scan3A_88 : i32
    %scan3A_90 = arith.constant 1 : i32
    %scan3A_91 = scf.for %scan3A_195 = %scan3A to %scan3A_89 step %scan3A_90 iter_args(%scan3A_196 = %broadcast_in_dim3A_87) -> (vector<16xf32>)  : i32 {
      %mul3A_197 = arith.constant 64 : i32
      %mul3A_198 = arith.muli %mul3A_197, %scan3A_195 : i32
      %add3A_199 = arith.addi %add3A, %mul3A_198 : i32
      %add3A_200 = arith.constant 32 : i32
      %add3A_201 = arith.addi %add3A_199, %add3A_200 : i32
      %min3A_202 = arith.constant 391 : i32
      %min3A_203 = arith.minsi %add3A_199, %min3A_202 : i32
      %shift_right_arithmetic3A_204 = arith.constant 3 : i32
      %shift_right_arithmetic3A_205 = arith.shrsi %min3A_203, %shift_right_arithmetic3A_204 : i32
      %and3A_206 = arith.constant 7 : i32
      %and3A_207 = arith.andi %min3A_203, %and3A_206 : i32
      %jit3A_208 = arith.constant 7 : i32
      %div3A_209 = arith.divsi %shift_right_arithmetic3A_205, %jit3A_208 : i32
      %sign3A_210 = arith.constant 0 : i32
      %sign3A_211 = arith.cmpi sgt, %shift_right_arithmetic3A_205, %sign3A_210 : i32
      %sign3A_212 = arith.extui %sign3A_211 : i1 to i32
      %sign3A_213 = arith.constant 0 : i32
      %sign3A_214 = arith.cmpi slt, %shift_right_arithmetic3A_205, %sign3A_213 : i32
      %sign3A_215 = arith.extui %sign3A_214 : i1 to i32
      %sign3A_216 = arith.subi %sign3A_212, %sign3A_215 : i32
      %sign3A_217 = arith.constant 0 : i32
      %sign3A_218 = arith.cmpi sgt, %jit3A_208, %sign3A_217 : i32
      %sign3A_219 = arith.extui %sign3A_218 : i1 to i32
      %sign3A_220 = arith.constant 0 : i32
      %sign3A_221 = arith.cmpi slt, %jit3A_208, %sign3A_220 : i32
      %sign3A_222 = arith.extui %sign3A_221 : i1 to i32
      %sign3A_223 = arith.subi %sign3A_219, %sign3A_222 : i32
      %ne3A_224 = arith.cmpi ne, %sign3A_216, %sign3A_223 : i32
      %rem3A_225 = arith.remsi %shift_right_arithmetic3A_205, %jit3A_208 : i32
      %ne3A_226 = arith.constant 0 : i32
      %ne3A_227 = arith.cmpi ne, %rem3A_225, %ne3A_226 : i32
      %and3A_228 = arith.andi %ne3A_224, %ne3A_227 : i1
      %sub3A_229 = arith.constant 1 : i32
      %sub3A_230 = arith.subi %div3A_209, %sub3A_229 : i32
      %select_n3A_231 = arith.select %and3A_228, %sub3A_230, %div3A_209 : i32
      %mul3A_232 = arith.constant 7 : i32
      %mul3A_233 = arith.muli %select_n3A_231, %mul3A_232 : i32
      %sub3A_234 = arith.subi %shift_right_arithmetic3A_205, %mul3A_233 : i32
      %mul3A_235 = arith.constant 128 : i32
      %mul3A_236 = arith.muli %and3A_207, %mul3A_235 : i32
      %multiple_of3A_237 = tpu.assume_multiple %mul3A_236, 128 : i32
      %dma_wait3A_238 = arith.constant 0 : i32
      %dma_wait3A_239 = tpu.memref_slice %arg2[%select_n3A_231, %sub3A_234, %dma_wait3A_238, %multiple_of3A_237] : memref<7x7x30x1024xf32, #tpu.memory_space<hbm>> -> memref<1x1x30x128xf32, #tpu.memory_space<hbm>>
      %dma_wait3A_240 = tpu.memref_squeeze %dma_wait3A_239 : memref<1x1x30x128xf32, #tpu.memory_space<hbm>> -> memref<30x128xf32, #tpu.memory_space<hbm>>
      %dma_wait3A_241 = arith.constant 0 : i32
      %dma_wait3A_242 = tpu.memref_slice %arg2[%select_n3A_231, %sub3A_234, %dma_wait3A_241, %multiple_of3A_237] : memref<7x7x30x1024xf32, #tpu.memory_space<hbm>> -> memref<1x1x30x128xf32, #tpu.memory_space<hbm>>
      %dma_wait3A_243 = tpu.memref_squeeze %dma_wait3A_242 : memref<1x1x30x128xf32, #tpu.memory_space<hbm>> -> memref<30x128xf32, #tpu.memory_space<hbm>>
      tpu.wait_dma2 semaphore(%arg10 : memref<!tpu.dma_semaphore, #tpu.memory_space<semaphore_mem>>) src(%dma_wait3A_243 : memref<30x128xf32, #tpu.memory_space<hbm>>) dst(%arg5 : memref<30x128xf32, #tpu.memory_space<vmem>>)
      %dma_wait3A_244 = arith.constant 0 : i32
      %dma_wait3A_245 = tpu.memref_slice %arg3[%select_n3A_231, %sub3A_234, %dma_wait3A_244, %multiple_of3A_237] : memref<7x7x30x1024xf32, #tpu.memory_space<hbm>> -> memref<1x1x30x128xf32, #tpu.memory_space<hbm>>
      %dma_wait3A_246 = tpu.memref_squeeze %dma_wait3A_245 : memref<1x1x30x128xf32, #tpu.memory_space<hbm>> -> memref<30x128xf32, #tpu.memory_space<hbm>>
      %dma_wait3A_247 = arith.constant 0 : i32
      %dma_wait3A_248 = tpu.memref_slice %arg3[%select_n3A_231, %sub3A_234, %dma_wait3A_247, %multiple_of3A_237] : memref<7x7x30x1024xf32, #tpu.memory_space<hbm>> -> memref<1x1x30x128xf32, #tpu.memory_space<hbm>>
      %dma_wait3A_249 = tpu.memref_squeeze %dma_wait3A_248 : memref<1x1x30x128xf32, #tpu.memory_space<hbm>> -> memref<30x128xf32, #tpu.memory_space<hbm>>
      tpu.wait_dma2 semaphore(%arg10 : memref<!tpu.dma_semaphore, #tpu.memory_space<semaphore_mem>>) src(%dma_wait3A_249 : memref<30x128xf32, #tpu.memory_space<hbm>>) dst(%arg7 : memref<30x128xf32, #tpu.memory_space<vmem>>)
      %lt3A = arith.constant 392 : i32
      %lt3A_250 = arith.cmpi slt, %add3A_199, %lt3A : i32
      %broadcast_in_dim3A_251 = arith.constant 0.000000e+00 : f32
      %broadcast_in_dim3A_252 = vector.broadcast %broadcast_in_dim3A_251 : f32 to vector<16xf32>
      %scan3A_253 = arith.constant 0 : i32
      %scan3A_254 = arith.constant 8 : i32
      %scan3A_255 = arith.addi %scan3A_253, %scan3A_254 : i32
      %scan3A_256 = arith.constant 1 : i32
      %scan3A_257 = scf.for %scan3A_425 = %scan3A_253 to %scan3A_255 step %scan3A_256 iter_args(%scan3A_426 = %broadcast_in_dim3A_252) -> (vector<16xf32>)  : i32 {
        %mul3A_427 = arith.constant 16 : i32
        %mul3A_428 = arith.muli %scan3A_425, %mul3A_427 : i32
        %get3A = arith.constant 0 : i32
        %get3A_429 = arith.index_cast %get3A : i32 to index
        %get3A_430 = arith.index_cast %mul3A_428 : i32 to index
        %get3A_431 = tpu.vector_load %arg5[%get3A_429, %get3A_430] {strides = array<i32>} : memref<30x128xf32, #tpu.memory_space<vmem>>, vector<16xf32>,
        %mul3A_432 = arith.constant 16 : i32
        %mul3A_433 = arith.muli %scan3A_425, %mul3A_432 : i32
        %get3A_434 = arith.constant 1 : i32
        %get3A_435 = arith.index_cast %get3A_434 : i32 to index
        %get3A_436 = arith.index_cast %mul3A_433 : i32 to index
        %get3A_437 = tpu.vector_load %arg5[%get3A_435, %get3A_436] {strides = array<i32>} : memref<30x128xf32, #tpu.memory_space<vmem>>, vector<16xf32>,
        %mul3A_438 = arith.constant 16 : i32
        %mul3A_439 = arith.muli %scan3A_425, %mul3A_438 : i32
        %get3A_440 = arith.constant 2 : i32
        %get3A_441 = arith.index_cast %get3A_440 : i32 to index
        %get3A_442 = arith.index_cast %mul3A_439 : i32 to index
        %get3A_443 = tpu.vector_load %arg5[%get3A_441, %get3A_442] {strides = array<i32>} : memref<30x128xf32, #tpu.memory_space<vmem>>, vector<16xf32>,
        %mul3A_444 = arith.constant 16 : i32
        %mul3A_445 = arith.muli %scan3A_425, %mul3A_444 : i32
        %get3A_446 = arith.constant 3 : i32
        %get3A_447 = arith.index_cast %get3A_446 : i32 to index
        %get3A_448 = arith.index_cast %mul3A_445 : i32 to index
        %get3A_449 = tpu.vector_load %arg5[%get3A_447, %get3A_448] {strides = array<i32>} : memref<30x128xf32, #tpu.memory_space<vmem>>, vector<16xf32>,
        %mul3A_450 = arith.constant 16 : i32
        %mul3A_451 = arith.muli %scan3A_425, %mul3A_450 : i32
        %get3A_452 = arith.constant 4 : i32
        %get3A_453 = arith.index_cast %get3A_452 : i32 to index
        %get3A_454 = arith.index_cast %mul3A_451 : i32 to index
        %get3A_455 = tpu.vector_load %arg5[%get3A_453, %get3A_454] {strides = array<i32>} : memref<30x128xf32, #tpu.memory_space<vmem>>, vector<16xf32>,
        %mul3A_456 = arith.constant 16 : i32
        %mul3A_457 = arith.muli %scan3A_425, %mul3A_456 : i32
        %get3A_458 = arith.constant 5 : i32
        %get3A_459 = arith.index_cast %get3A_458 : i32 to index
        %get3A_460 = arith.index_cast %mul3A_457 : i32 to index
        %get3A_461 = tpu.vector_load %arg5[%get3A_459, %get3A_460] {strides = array<i32>} : memref<30x128xf32, #tpu.memory_space<vmem>>, vector<16xf32>,
        %mul3A_462 = arith.constant 16 : i32
        %mul3A_463 = arith.muli %scan3A_425, %mul3A_462 : i32
        %get3A_464 = arith.constant 6 : i32
        %get3A_465 = arith.index_cast %get3A_464 : i32 to index
        %get3A_466 = arith.index_cast %mul3A_463 : i32 to index
        %get3A_467 = tpu.vector_load %arg5[%get3A_465, %get3A_466] {strides = array<i32>} : memref<30x128xf32, #tpu.memory_space<vmem>>, vector<16xf32>,
        %mul3A_468 = arith.constant 16 : i32
        %mul3A_469 = arith.muli %scan3A_425, %mul3A_468 : i32
        %get3A_470 = arith.constant 7 : i32
        %get3A_471 = arith.index_cast %get3A_470 : i32 to index
        %get3A_472 = arith.index_cast %mul3A_469 : i32 to index
        %get3A_473 = tpu.vector_load %arg5[%get3A_471, %get3A_472] {strides = array<i32>} : memref<30x128xf32, #tpu.memory_space<vmem>>, vector<16xf32>,
        %mul3A_474 = arith.constant 16 : i32
        %mul3A_475 = arith.muli %scan3A_425, %mul3A_474 : i32
        %get3A_476 = arith.constant 8 : i32
        %get3A_477 = arith.index_cast %get3A_476 : i32 to index
        %get3A_478 = arith.index_cast %mul3A_475 : i32 to index
        %get3A_479 = tpu.vector_load %arg5[%get3A_477, %get3A_478] {strides = array<i32>} : memref<30x128xf32, #tpu.memory_space<vmem>>, vector<16xf32>,
        %mul3A_480 = arith.constant 16 : i32
        %mul3A_481 = arith.muli %scan3A_425, %mul3A_480 : i32
        %get3A_482 = arith.constant 9 : i32
        %get3A_483 = arith.index_cast %get3A_482 : i32 to index
        %get3A_484 = arith.index_cast %mul3A_481 : i32 to index
        %get3A_485 = tpu.vector_load %arg5[%get3A_483, %get3A_484] {strides = array<i32>} : memref<30x128xf32, #tpu.memory_space<vmem>>, vector<16xf32>,
        %mul3A_486 = arith.constant 16 : i32
        %mul3A_487 = arith.muli %scan3A_425, %mul3A_486 : i32
        %get3A_488 = arith.constant 10 : i32
        %get3A_489 = arith.index_cast %get3A_488 : i32 to index
        %get3A_490 = arith.index_cast %mul3A_487 : i32 to index
        %get3A_491 = tpu.vector_load %arg5[%get3A_489, %get3A_490] {strides = array<i32>} : memref<30x128xf32, #tpu.memory_space<vmem>>, vector<16xf32>,
        %mul3A_492 = arith.constant 16 : i32
        %mul3A_493 = arith.muli %scan3A_425, %mul3A_492 : i32
        %get3A_494 = arith.constant 11 : i32
        %get3A_495 = arith.index_cast %get3A_494 : i32 to index
        %get3A_496 = arith.index_cast %mul3A_493 : i32 to index
        %get3A_497 = tpu.vector_load %arg5[%get3A_495, %get3A_496] {strides = array<i32>} : memref<30x128xf32, #tpu.memory_space<vmem>>, vector<16xf32>,
        %mul3A_498 = arith.constant 16 : i32
        %mul3A_499 = arith.muli %scan3A_425, %mul3A_498 : i32
        %get3A_500 = arith.constant 12 : i32
        %get3A_501 = arith.index_cast %get3A_500 : i32 to index
        %get3A_502 = arith.index_cast %mul3A_499 : i32 to index
        %get3A_503 = tpu.vector_load %arg5[%get3A_501, %get3A_502] {strides = array<i32>} : memref<30x128xf32, #tpu.memory_space<vmem>>, vector<16xf32>,
        %mul3A_504 = arith.constant 16 : i32
        %mul3A_505 = arith.muli %scan3A_425, %mul3A_504 : i32
        %get3A_506 = arith.constant 13 : i32
        %get3A_507 = arith.index_cast %get3A_506 : i32 to index
        %get3A_508 = arith.index_cast %mul3A_505 : i32 to index
        %get3A_509 = tpu.vector_load %arg5[%get3A_507, %get3A_508] {strides = array<i32>} : memref<30x128xf32, #tpu.memory_space<vmem>>, vector<16xf32>,
        %mul3A_510 = arith.constant 16 : i32
        %mul3A_511 = arith.muli %scan3A_425, %mul3A_510 : i32
        %get3A_512 = arith.constant 14 : i32
        %get3A_513 = arith.index_cast %get3A_512 : i32 to index
        %get3A_514 = arith.index_cast %mul3A_511 : i32 to index
        %get3A_515 = tpu.vector_load %arg5[%get3A_513, %get3A_514] {strides = array<i32>} : memref<30x128xf32, #tpu.memory_space<vmem>>, vector<16xf32>,
        %mul3A_516 = arith.constant 16 : i32
        %mul3A_517 = arith.muli %scan3A_425, %mul3A_516 : i32
        %get3A_518 = arith.constant 15 : i32
        %get3A_519 = arith.index_cast %get3A_518 : i32 to index
        %get3A_520 = arith.index_cast %mul3A_517 : i32 to index
        %get3A_521 = tpu.vector_load %arg5[%get3A_519, %get3A_520] {strides = array<i32>} : memref<30x128xf32, #tpu.memory_space<vmem>>, vector<16xf32>,
        %mul3A_522 = arith.constant 16 : i32
        %mul3A_523 = arith.muli %scan3A_425, %mul3A_522 : i32
        %get3A_524 = arith.constant 16 : i32
        %get3A_525 = arith.index_cast %get3A_524 : i32 to index
        %get3A_526 = arith.index_cast %mul3A_523 : i32 to index
        %get3A_527 = tpu.vector_load %arg5[%get3A_525, %get3A_526] {strides = array<i32>} : memref<30x128xf32, #tpu.memory_space<vmem>>, vector<16xf32>,
        %mul3A_528 = arith.constant 16 : i32
        %mul3A_529 = arith.muli %scan3A_425, %mul3A_528 : i32
        %get3A_530 = arith.constant 17 : i32
        %get3A_531 = arith.index_cast %get3A_530 : i32 to index
        %get3A_532 = arith.index_cast %mul3A_529 : i32 to index
        %get3A_533 = tpu.vector_load %arg5[%get3A_531, %get3A_532] {strides = array<i32>} : memref<30x128xf32, #tpu.memory_space<vmem>>, vector<16xf32>,
        %mul3A_534 = arith.constant 16 : i32
        %mul3A_535 = arith.muli %scan3A_425, %mul3A_534 : i32
        %get3A_536 = arith.constant 18 : i32
        %get3A_537 = arith.index_cast %get3A_536 : i32 to index
        %get3A_538 = arith.index_cast %mul3A_535 : i32 to index
        %get3A_539 = tpu.vector_load %arg5[%get3A_537, %get3A_538] {strides = array<i32>} : memref<30x128xf32, #tpu.memory_space<vmem>>, vector<16xf32>,
        %mul3A_540 = arith.constant 16 : i32
        %mul3A_541 = arith.muli %scan3A_425, %mul3A_540 : i32
        %get3A_542 = arith.constant 19 : i32
        %get3A_543 = arith.index_cast %get3A_542 : i32 to index
        %get3A_544 = arith.index_cast %mul3A_541 : i32 to index
        %get3A_545 = tpu.vector_load %arg5[%get3A_543, %get3A_544] {strides = array<i32>} : memref<30x128xf32, #tpu.memory_space<vmem>>, vector<16xf32>,
        %mul3A_546 = arith.constant 16 : i32
        %mul3A_547 = arith.muli %scan3A_425, %mul3A_546 : i32
        %get3A_548 = arith.constant 20 : i32
        %get3A_549 = arith.index_cast %get3A_548 : i32 to index
        %get3A_550 = arith.index_cast %mul3A_547 : i32 to index
        %get3A_551 = tpu.vector_load %arg5[%get3A_549, %get3A_550] {strides = array<i32>} : memref<30x128xf32, #tpu.memory_space<vmem>>, vector<16xf32>,
        %mul3A_552 = arith.constant 16 : i32
        %mul3A_553 = arith.muli %scan3A_425, %mul3A_552 : i32
        %get3A_554 = arith.constant 21 : i32
        %get3A_555 = arith.index_cast %get3A_554 : i32 to index
        %get3A_556 = arith.index_cast %mul3A_553 : i32 to index
        %get3A_557 = tpu.vector_load %arg5[%get3A_555, %get3A_556] {strides = array<i32>} : memref<30x128xf32, #tpu.memory_space<vmem>>, vector<16xf32>,
        %mul3A_558 = arith.constant 16 : i32
        %mul3A_559 = arith.muli %scan3A_425, %mul3A_558 : i32
        %get3A_560 = arith.constant 22 : i32
        %get3A_561 = arith.index_cast %get3A_560 : i32 to index
        %get3A_562 = arith.index_cast %mul3A_559 : i32 to index
        %get3A_563 = tpu.vector_load %arg5[%get3A_561, %get3A_562] {strides = array<i32>} : memref<30x128xf32, #tpu.memory_space<vmem>>, vector<16xf32>,
        %mul3A_564 = arith.constant 16 : i32
        %mul3A_565 = arith.muli %scan3A_425, %mul3A_564 : i32
        %get3A_566 = arith.constant 23 : i32
        %get3A_567 = arith.index_cast %get3A_566 : i32 to index
        %get3A_568 = arith.index_cast %mul3A_565 : i32 to index
        %get3A_569 = tpu.vector_load %arg5[%get3A_567, %get3A_568] {strides = array<i32>} : memref<30x128xf32, #tpu.memory_space<vmem>>, vector<16xf32>,
        %mul3A_570 = arith.constant 16 : i32
        %mul3A_571 = arith.muli %scan3A_425, %mul3A_570 : i32
        %get3A_572 = arith.constant 24 : i32
        %get3A_573 = arith.index_cast %get3A_572 : i32 to index
        %get3A_574 = arith.index_cast %mul3A_571 : i32 to index
        %get3A_575 = tpu.vector_load %arg5[%get3A_573, %get3A_574] {strides = array<i32>} : memref<30x128xf32, #tpu.memory_space<vmem>>, vector<16xf32>,
        %mul3A_576 = arith.constant 16 : i32
        %mul3A_577 = arith.muli %scan3A_425, %mul3A_576 : i32
        %get3A_578 = arith.constant 25 : i32
        %get3A_579 = arith.index_cast %get3A_578 : i32 to index
        %get3A_580 = arith.index_cast %mul3A_577 : i32 to index
        %get3A_581 = tpu.vector_load %arg5[%get3A_579, %get3A_580] {strides = array<i32>} : memref<30x128xf32, #tpu.memory_space<vmem>>, vector<16xf32>,
        %mul3A_582 = arith.constant 16 : i32
        %mul3A_583 = arith.muli %scan3A_425, %mul3A_582 : i32
        %get3A_584 = arith.constant 26 : i32
        %get3A_585 = arith.index_cast %get3A_584 : i32 to index
        %get3A_586 = arith.index_cast %mul3A_583 : i32 to index
        %get3A_587 = tpu.vector_load %arg5[%get3A_585, %get3A_586] {strides = array<i32>} : memref<30x128xf32, #tpu.memory_space<vmem>>, vector<16xf32>,
        %mul3A_588 = arith.constant 16 : i32
        %mul3A_589 = arith.muli %scan3A_425, %mul3A_588 : i32
        %get3A_590 = arith.constant 27 : i32
        %get3A_591 = arith.index_cast %get3A_590 : i32 to index
        %get3A_592 = arith.index_cast %mul3A_589 : i32 to index
        %get3A_593 = tpu.vector_load %arg5[%get3A_591, %get3A_592] {strides = array<i32>} : memref<30x128xf32, #tpu.memory_space<vmem>>, vector<16xf32>,
        %mul3A_594 = arith.constant 16 : i32
        %mul3A_595 = arith.muli %scan3A_425, %mul3A_594 : i32
        %get3A_596 = arith.constant 28 : i32
        %get3A_597 = arith.index_cast %get3A_596 : i32 to index
        %get3A_598 = arith.index_cast %mul3A_595 : i32 to index
        %get3A_599 = tpu.vector_load %arg5[%get3A_597, %get3A_598] {strides = array<i32>} : memref<30x128xf32, #tpu.memory_space<vmem>>, vector<16xf32>,
        %mul3A_600 = arith.constant 16 : i32
        %mul3A_601 = arith.muli %scan3A_425, %mul3A_600 : i32
        %get3A_602 = arith.constant 29 : i32
        %get3A_603 = arith.index_cast %get3A_602 : i32 to index
        %get3A_604 = arith.index_cast %mul3A_601 : i32 to index
        %get3A_605 = tpu.vector_load %arg5[%get3A_603, %get3A_604] {strides = array<i32>} : memref<30x128xf32, #tpu.memory_space<vmem>>, vector<16xf32>,
        %mul3A_606 = arith.constant 16 : i32
        %mul3A_607 = arith.muli %scan3A_425, %mul3A_606 : i32
        %get3A_608 = arith.constant 0 : i32
        %get3A_609 = arith.index_cast %get3A_608 : i32 to index
        %get3A_610 = arith.index_cast %mul3A_607 : i32 to index
        %get3A_611 = tpu.vector_load %arg7[%get3A_609, %get3A_610] {strides = array<i32>} : memref<30x128xf32, #tpu.memory_space<vmem>>, vector<16xf32>,
        %mul3A_612 = arith.constant 16 : i32
        %mul3A_613 = arith.muli %scan3A_425, %mul3A_612 : i32
        %get3A_614 = arith.constant 1 : i32
        %get3A_615 = arith.index_cast %get3A_614 : i32 to index
        %get3A_616 = arith.index_cast %mul3A_613 : i32 to index
        %get3A_617 = tpu.vector_load %arg7[%get3A_615, %get3A_616] {strides = array<i32>} : memref<30x128xf32, #tpu.memory_space<vmem>>, vector<16xf32>,
        %mul3A_618 = arith.constant 16 : i32
        %mul3A_619 = arith.muli %scan3A_425, %mul3A_618 : i32
        %get3A_620 = arith.constant 2 : i32
        %get3A_621 = arith.index_cast %get3A_620 : i32 to index
        %get3A_622 = arith.index_cast %mul3A_619 : i32 to index
        %get3A_623 = tpu.vector_load %arg7[%get3A_621, %get3A_622] {strides = array<i32>} : memref<30x128xf32, #tpu.memory_space<vmem>>, vector<16xf32>,
        %mul3A_624 = arith.constant 16 : i32
        %mul3A_625 = arith.muli %scan3A_425, %mul3A_624 : i32
        %get3A_626 = arith.constant 3 : i32
        %get3A_627 = arith.index_cast %get3A_626 : i32 to index
        %get3A_628 = arith.index_cast %mul3A_625 : i32 to index
        %get3A_629 = tpu.vector_load %arg7[%get3A_627, %get3A_628] {strides = array<i32>} : memref<30x128xf32, #tpu.memory_space<vmem>>, vector<16xf32>,
        %mul3A_630 = arith.constant 16 : i32
        %mul3A_631 = arith.muli %scan3A_425, %mul3A_630 : i32
        %get3A_632 = arith.constant 4 : i32
        %get3A_633 = arith.index_cast %get3A_632 : i32 to index
        %get3A_634 = arith.index_cast %mul3A_631 : i32 to index
        %get3A_635 = tpu.vector_load %arg7[%get3A_633, %get3A_634] {strides = array<i32>} : memref<30x128xf32, #tpu.memory_space<vmem>>, vector<16xf32>,
        %mul3A_636 = arith.constant 16 : i32
        %mul3A_637 = arith.muli %scan3A_425, %mul3A_636 : i32
        %get3A_638 = arith.constant 5 : i32
        %get3A_639 = arith.index_cast %get3A_638 : i32 to index
        %get3A_640 = arith.index_cast %mul3A_637 : i32 to index
        %get3A_641 = tpu.vector_load %arg7[%get3A_639, %get3A_640] {strides = array<i32>} : memref<30x128xf32, #tpu.memory_space<vmem>>, vector<16xf32>,
        %mul3A_642 = arith.constant 16 : i32
        %mul3A_643 = arith.muli %scan3A_425, %mul3A_642 : i32
        %get3A_644 = arith.constant 6 : i32
        %get3A_645 = arith.index_cast %get3A_644 : i32 to index
        %get3A_646 = arith.index_cast %mul3A_643 : i32 to index
        %get3A_647 = tpu.vector_load %arg7[%get3A_645, %get3A_646] {strides = array<i32>} : memref<30x128xf32, #tpu.memory_space<vmem>>, vector<16xf32>,
        %mul3A_648 = arith.constant 16 : i32
        %mul3A_649 = arith.muli %scan3A_425, %mul3A_648 : i32
        %get3A_650 = arith.constant 7 : i32
        %get3A_651 = arith.index_cast %get3A_650 : i32 to index
        %get3A_652 = arith.index_cast %mul3A_649 : i32 to index
        %get3A_653 = tpu.vector_load %arg7[%get3A_651, %get3A_652] {strides = array<i32>} : memref<30x128xf32, #tpu.memory_space<vmem>>, vector<16xf32>,
        %mul3A_654 = arith.constant 16 : i32
        %mul3A_655 = arith.muli %scan3A_425, %mul3A_654 : i32
        %get3A_656 = arith.constant 8 : i32
        %get3A_657 = arith.index_cast %get3A_656 : i32 to index
        %get3A_658 = arith.index_cast %mul3A_655 : i32 to index
        %get3A_659 = tpu.vector_load %arg7[%get3A_657, %get3A_658] {strides = array<i32>} : memref<30x128xf32, #tpu.memory_space<vmem>>, vector<16xf32>,
        %mul3A_660 = arith.constant 16 : i32
        %mul3A_661 = arith.muli %scan3A_425, %mul3A_660 : i32
        %get3A_662 = arith.constant 9 : i32
        %get3A_663 = arith.index_cast %get3A_662 : i32 to index
        %get3A_664 = arith.index_cast %mul3A_661 : i32 to index
        %get3A_665 = tpu.vector_load %arg7[%get3A_663, %get3A_664] {strides = array<i32>} : memref<30x128xf32, #tpu.memory_space<vmem>>, vector<16xf32>,
        %mul3A_666 = arith.constant 16 : i32
        %mul3A_667 = arith.muli %scan3A_425, %mul3A_666 : i32
        %get3A_668 = arith.constant 10 : i32
        %get3A_669 = arith.index_cast %get3A_668 : i32 to index
        %get3A_670 = arith.index_cast %mul3A_667 : i32 to index
        %get3A_671 = tpu.vector_load %arg7[%get3A_669, %get3A_670] {strides = array<i32>} : memref<30x128xf32, #tpu.memory_space<vmem>>, vector<16xf32>,
        %mul3A_672 = arith.constant 16 : i32
        %mul3A_673 = arith.muli %scan3A_425, %mul3A_672 : i32
        %get3A_674 = arith.constant 11 : i32
        %get3A_675 = arith.index_cast %get3A_674 : i32 to index
        %get3A_676 = arith.index_cast %mul3A_673 : i32 to index
        %get3A_677 = tpu.vector_load %arg7[%get3A_675, %get3A_676] {strides = array<i32>} : memref<30x128xf32, #tpu.memory_space<vmem>>, vector<16xf32>,
        %mul3A_678 = arith.constant 16 : i32
        %mul3A_679 = arith.muli %scan3A_425, %mul3A_678 : i32
        %get3A_680 = arith.constant 12 : i32
        %get3A_681 = arith.index_cast %get3A_680 : i32 to index
        %get3A_682 = arith.index_cast %mul3A_679 : i32 to index
        %get3A_683 = tpu.vector_load %arg7[%get3A_681, %get3A_682] {strides = array<i32>} : memref<30x128xf32, #tpu.memory_space<vmem>>, vector<16xf32>,
        %mul3A_684 = arith.constant 16 : i32
        %mul3A_685 = arith.muli %scan3A_425, %mul3A_684 : i32
        %get3A_686 = arith.constant 13 : i32
        %get3A_687 = arith.index_cast %get3A_686 : i32 to index
        %get3A_688 = arith.index_cast %mul3A_685 : i32 to index
        %get3A_689 = tpu.vector_load %arg7[%get3A_687, %get3A_688] {strides = array<i32>} : memref<30x128xf32, #tpu.memory_space<vmem>>, vector<16xf32>,
        %mul3A_690 = arith.constant 16 : i32
        %mul3A_691 = arith.muli %scan3A_425, %mul3A_690 : i32
        %get3A_692 = arith.constant 14 : i32
        %get3A_693 = arith.index_cast %get3A_692 : i32 to index
        %get3A_694 = arith.index_cast %mul3A_691 : i32 to index
        %get3A_695 = tpu.vector_load %arg7[%get3A_693, %get3A_694] {strides = array<i32>} : memref<30x128xf32, #tpu.memory_space<vmem>>, vector<16xf32>,
        %mul3A_696 = arith.constant 16 : i32
        %mul3A_697 = arith.muli %scan3A_425, %mul3A_696 : i32
        %get3A_698 = arith.constant 15 : i32
        %get3A_699 = arith.index_cast %get3A_698 : i32 to index
        %get3A_700 = arith.index_cast %mul3A_697 : i32 to index
        %get3A_701 = tpu.vector_load %arg7[%get3A_699, %get3A_700] {strides = array<i32>} : memref<30x128xf32, #tpu.memory_space<vmem>>, vector<16xf32>,
        %mul3A_702 = arith.constant 16 : i32
        %mul3A_703 = arith.muli %scan3A_425, %mul3A_702 : i32
        %get3A_704 = arith.constant 16 : i32
        %get3A_705 = arith.index_cast %get3A_704 : i32 to index
        %get3A_706 = arith.index_cast %mul3A_703 : i32 to index
        %get3A_707 = tpu.vector_load %arg7[%get3A_705, %get3A_706] {strides = array<i32>} : memref<30x128xf32, #tpu.memory_space<vmem>>, vector<16xf32>,
        %mul3A_708 = arith.constant 16 : i32
        %mul3A_709 = arith.muli %scan3A_425, %mul3A_708 : i32
        %get3A_710 = arith.constant 17 : i32
        %get3A_711 = arith.index_cast %get3A_710 : i32 to index
        %get3A_712 = arith.index_cast %mul3A_709 : i32 to index
        %get3A_713 = tpu.vector_load %arg7[%get3A_711, %get3A_712] {strides = array<i32>} : memref<30x128xf32, #tpu.memory_space<vmem>>, vector<16xf32>,
        %mul3A_714 = arith.constant 16 : i32
        %mul3A_715 = arith.muli %scan3A_425, %mul3A_714 : i32
        %get3A_716 = arith.constant 18 : i32
        %get3A_717 = arith.index_cast %get3A_716 : i32 to index
        %get3A_718 = arith.index_cast %mul3A_715 : i32 to index
        %get3A_719 = tpu.vector_load %arg7[%get3A_717, %get3A_718] {strides = array<i32>} : memref<30x128xf32, #tpu.memory_space<vmem>>, vector<16xf32>,
        %mul3A_720 = arith.constant 16 : i32
        %mul3A_721 = arith.muli %scan3A_425, %mul3A_720 : i32
        %get3A_722 = arith.constant 19 : i32
        %get3A_723 = arith.index_cast %get3A_722 : i32 to index
        %get3A_724 = arith.index_cast %mul3A_721 : i32 to index
        %get3A_725 = tpu.vector_load %arg7[%get3A_723, %get3A_724] {strides = array<i32>} : memref<30x128xf32, #tpu.memory_space<vmem>>, vector<16xf32>,
        %mul3A_726 = arith.constant 16 : i32
        %mul3A_727 = arith.muli %scan3A_425, %mul3A_726 : i32
        %get3A_728 = arith.constant 20 : i32
        %get3A_729 = arith.index_cast %get3A_728 : i32 to index
        %get3A_730 = arith.index_cast %mul3A_727 : i32 to index
        %get3A_731 = tpu.vector_load %arg7[%get3A_729, %get3A_730] {strides = array<i32>} : memref<30x128xf32, #tpu.memory_space<vmem>>, vector<16xf32>,
        %mul3A_732 = arith.constant 16 : i32
        %mul3A_733 = arith.muli %scan3A_425, %mul3A_732 : i32
        %get3A_734 = arith.constant 21 : i32
        %get3A_735 = arith.index_cast %get3A_734 : i32 to index
        %get3A_736 = arith.index_cast %mul3A_733 : i32 to index
        %get3A_737 = tpu.vector_load %arg7[%get3A_735, %get3A_736] {strides = array<i32>} : memref<30x128xf32, #tpu.memory_space<vmem>>, vector<16xf32>,
        %mul3A_738 = arith.constant 16 : i32
        %mul3A_739 = arith.muli %scan3A_425, %mul3A_738 : i32
        %get3A_740 = arith.constant 22 : i32
        %get3A_741 = arith.index_cast %get3A_740 : i32 to index
        %get3A_742 = arith.index_cast %mul3A_739 : i32 to index
        %get3A_743 = tpu.vector_load %arg7[%get3A_741, %get3A_742] {strides = array<i32>} : memref<30x128xf32, #tpu.memory_space<vmem>>, vector<16xf32>,
        %mul3A_744 = arith.constant 16 : i32
        %mul3A_745 = arith.muli %scan3A_425, %mul3A_744 : i32
        %get3A_746 = arith.constant 23 : i32
        %get3A_747 = arith.index_cast %get3A_746 : i32 to index
        %get3A_748 = arith.index_cast %mul3A_745 : i32 to index
        %get3A_749 = tpu.vector_load %arg7[%get3A_747, %get3A_748] {strides = array<i32>} : memref<30x128xf32, #tpu.memory_space<vmem>>, vector<16xf32>,
        %mul3A_750 = arith.constant 16 : i32
        %mul3A_751 = arith.muli %scan3A_425, %mul3A_750 : i32
        %get3A_752 = arith.constant 24 : i32
        %get3A_753 = arith.index_cast %get3A_752 : i32 to index
        %get3A_754 = arith.index_cast %mul3A_751 : i32 to index
        %get3A_755 = tpu.vector_load %arg7[%get3A_753, %get3A_754] {strides = array<i32>} : memref<30x128xf32, #tpu.memory_space<vmem>>, vector<16xf32>,
        %mul3A_756 = arith.constant 16 : i32
        %mul3A_757 = arith.muli %scan3A_425, %mul3A_756 : i32
        %get3A_758 = arith.constant 25 : i32
        %get3A_759 = arith.index_cast %get3A_758 : i32 to index
        %get3A_760 = arith.index_cast %mul3A_757 : i32 to index
        %get3A_761 = tpu.vector_load %arg7[%get3A_759, %get3A_760] {strides = array<i32>} : memref<30x128xf32, #tpu.memory_space<vmem>>, vector<16xf32>,
        %mul3A_762 = arith.constant 16 : i32
        %mul3A_763 = arith.muli %scan3A_425, %mul3A_762 : i32
        %get3A_764 = arith.constant 26 : i32
        %get3A_765 = arith.index_cast %get3A_764 : i32 to index
        %get3A_766 = arith.index_cast %mul3A_763 : i32 to index
        %get3A_767 = tpu.vector_load %arg7[%get3A_765, %get3A_766] {strides = array<i32>} : memref<30x128xf32, #tpu.memory_space<vmem>>, vector<16xf32>,
        %mul3A_768 = arith.constant 16 : i32
        %mul3A_769 = arith.muli %scan3A_425, %mul3A_768 : i32
        %get3A_770 = arith.constant 27 : i32
        %get3A_771 = arith.index_cast %get3A_770 : i32 to index
        %get3A_772 = arith.index_cast %mul3A_769 : i32 to index
        %get3A_773 = tpu.vector_load %arg7[%get3A_771, %get3A_772] {strides = array<i32>} : memref<30x128xf32, #tpu.memory_space<vmem>>, vector<16xf32>,
        %mul3A_774 = arith.constant 16 : i32
        %mul3A_775 = arith.muli %scan3A_425, %mul3A_774 : i32
        %get3A_776 = arith.constant 28 : i32
        %get3A_777 = arith.index_cast %get3A_776 : i32 to index
        %get3A_778 = arith.index_cast %mul3A_775 : i32 to index
        %get3A_779 = tpu.vector_load %arg7[%get3A_777, %get3A_778] {strides = array<i32>} : memref<30x128xf32, #tpu.memory_space<vmem>>, vector<16xf32>,
        %mul3A_780 = arith.constant 16 : i32
        %mul3A_781 = arith.muli %scan3A_425, %mul3A_780 : i32
        %get3A_782 = arith.constant 29 : i32
        %get3A_783 = arith.index_cast %get3A_782 : i32 to index
        %get3A_784 = arith.index_cast %mul3A_781 : i32 to index
        %get3A_785 = tpu.vector_load %arg7[%get3A_783, %get3A_784] {strides = array<i32>} : memref<30x128xf32, #tpu.memory_space<vmem>>, vector<16xf32>,
        %sub3A_786 = arith.constant 1.000000e+00 : f32
        %sub3A_787 = vector.broadcast %sub3A_786 : f32 to vector<16xf32>
        %sub3A_788 = arith.subf %sub3A_787, %get3A_635 : vector<16xf32>
        %sub3A_789 = arith.subf %get3A_455, %get3A_635 : vector<16xf32>
        %mul3A_790 = arith.mulf %sub3A_789, %sub3A_789 : vector<16xf32>
        %sub3A_791 = arith.subf %get3A_485, %get3A_635 : vector<16xf32>
        %mul3A_792 = arith.mulf %sub3A_791, %sub3A_791 : vector<16xf32>
        %add3A_793 = arith.addf %mul3A_790, %mul3A_792 : vector<16xf32>
        %mul3A_794 = arith.mulf %sub3A_788, %add3A_793 : vector<16xf32>
        %mul3A_795 = arith.constant 5.000000e-01 : f32
        %mul3A_796 = vector.broadcast %mul3A_795 : f32 to vector<16xf32>
        %mul3A_797 = arith.mulf %mul3A_796, %get3A_623 : vector<16xf32>
        %sub3A_798 = arith.subf %get3A_611, %mul3A_797 : vector<16xf32>
        %mul3A_799 = arith.constant 5.000000e-01 : f32
        %mul3A_800 = vector.broadcast %mul3A_799 : f32 to vector<16xf32>
        %mul3A_801 = arith.mulf %mul3A_800, %get3A_623 : vector<16xf32>
        %add3A_802 = arith.addf %get3A_611, %mul3A_801 : vector<16xf32>
        %mul3A_803 = arith.constant 5.000000e-01 : f32
        %mul3A_804 = vector.broadcast %mul3A_803 : f32 to vector<16xf32>
        %mul3A_805 = arith.mulf %mul3A_804, %get3A_629 : vector<16xf32>
        %sub3A_806 = arith.subf %get3A_617, %mul3A_805 : vector<16xf32>
        %mul3A_807 = arith.constant 5.000000e-01 : f32
        %mul3A_808 = vector.broadcast %mul3A_807 : f32 to vector<16xf32>
        %mul3A_809 = arith.mulf %mul3A_808, %get3A_629 : vector<16xf32>
        %add3A_810 = arith.addf %get3A_617, %mul3A_809 : vector<16xf32>
        %mul3A_811 = arith.mulf %get3A_623, %get3A_629 : vector<16xf32>
        %mul3A_812 = arith.constant 5.000000e-01 : f32
        %mul3A_813 = vector.broadcast %mul3A_812 : f32 to vector<16xf32>
        %mul3A_814 = arith.mulf %mul3A_813, %get3A_443 : vector<16xf32>
        %mul3A_815 = arith.constant 5.000000e-01 : f32
        %mul3A_816 = vector.broadcast %mul3A_815 : f32 to vector<16xf32>
        %mul3A_817 = arith.mulf %mul3A_816, %get3A_449 : vector<16xf32>
        %add3A_818 = arith.addf %get3A_431, %mul3A_814 : vector<16xf32>
        %min3A_819 = arith.minimumf %add3A_818, %add3A_802 : vector<16xf32>
        %sub3A_820 = arith.subf %get3A_431, %mul3A_814 : vector<16xf32>
        %max3A = arith.maximumf %sub3A_820, %sub3A_798 : vector<16xf32>
        %sub3A_821 = arith.subf %min3A_819, %max3A : vector<16xf32>
        %add3A_822 = arith.addf %get3A_437, %mul3A_817 : vector<16xf32>
        %min3A_823 = arith.minimumf %add3A_822, %add3A_810 : vector<16xf32>
        %sub3A_824 = arith.subf %get3A_437, %mul3A_817 : vector<16xf32>
        %max3A_825 = arith.maximumf %sub3A_824, %sub3A_806 : vector<16xf32>
        %sub3A_826 = arith.subf %min3A_823, %max3A_825 : vector<16xf32>
        %lt3A_827 = arith.constant 0.000000e+00 : f32
        %lt3A_828 = vector.broadcast %lt3A_827 : f32 to vector<16xf32>
        %lt3A_829 = arith.cmpf olt, %sub3A_821, %lt3A_828 : vector<16xf32>
        %lt3A_830 = arith.constant 0.000000e+00 : f32
        %lt3A_831 = vector.broadcast %lt3A_830 : f32 to vector<16xf32>
        %lt3A_832 = arith.cmpf olt, %sub3A_826, %lt3A_831 : vector<16xf32>
        %and3A_833 = arith.andi %lt3A_829, %lt3A_832 : vector<16xi1>
        %jit3A_834 = arith.constant 1.000000e+00 : f32
        %jit3A_835 = arith.constant 0.000000e+00 : f32
        %broadcast_in_dim3A_836 = vector.broadcast %jit3A_834 : f32 to vector<16xf32>
        %broadcast_in_dim3A_837 = vector.broadcast %jit3A_835 : f32 to vector<16xf32>
        %select_n3A_838 = arith.select %and3A_833, %broadcast_in_dim3A_836, %broadcast_in_dim3A_837 : vector<16xi1>, vector<16xf32>
        %mul3A_839 = arith.mulf %get3A_443, %get3A_449 : vector<16xf32>
        %add3A_840 = arith.addf %mul3A_839, %mul3A_811 : vector<16xf32>
        %sub3A_841 = arith.subf %add3A_840, %select_n3A_838 : vector<16xf32>
        %mul3A_842 = arith.constant 5.000000e-01 : f32
        %mul3A_843 = vector.broadcast %mul3A_842 : f32 to vector<16xf32>
        %mul3A_844 = arith.mulf %mul3A_843, %get3A_473 : vector<16xf32>
        %mul3A_845 = arith.constant 5.000000e-01 : f32
        %mul3A_846 = vector.broadcast %mul3A_845 : f32 to vector<16xf32>
        %mul3A_847 = arith.mulf %mul3A_846, %get3A_479 : vector<16xf32>
        %add3A_848 = arith.addf %get3A_461, %mul3A_844 : vector<16xf32>
        %min3A_849 = arith.minimumf %add3A_848, %add3A_802 : vector<16xf32>
        %sub3A_850 = arith.subf %get3A_461, %mul3A_844 : vector<16xf32>
        %max3A_851 = arith.maximumf %sub3A_850, %sub3A_798 : vector<16xf32>
        %sub3A_852 = arith.subf %min3A_849, %max3A_851 : vector<16xf32>
        %add3A_853 = arith.addf %get3A_467, %mul3A_847 : vector<16xf32>
        %min3A_854 = arith.minimumf %add3A_853, %add3A_810 : vector<16xf32>
        %sub3A_855 = arith.subf %get3A_467, %mul3A_847 : vector<16xf32>
        %max3A_856 = arith.maximumf %sub3A_855, %sub3A_806 : vector<16xf32>
        %sub3A_857 = arith.subf %min3A_854, %max3A_856 : vector<16xf32>
        %lt3A_858 = arith.constant 0.000000e+00 : f32
        %lt3A_859 = vector.broadcast %lt3A_858 : f32 to vector<16xf32>
        %lt3A_860 = arith.cmpf olt, %sub3A_852, %lt3A_859 : vector<16xf32>
        %lt3A_861 = arith.constant 0.000000e+00 : f32
        %lt3A_862 = vector.broadcast %lt3A_861 : f32 to vector<16xf32>
        %lt3A_863 = arith.cmpf olt, %sub3A_857, %lt3A_862 : vector<16xf32>
        %and3A_864 = arith.andi %lt3A_860, %lt3A_863 : vector<16xi1>
        %jit3A_865 = arith.constant 1.000000e+00 : f32
        %jit3A_866 = arith.constant 0.000000e+00 : f32
        %broadcast_in_dim3A_867 = vector.broadcast %jit3A_865 : f32 to vector<16xf32>
        %broadcast_in_dim3A_868 = vector.broadcast %jit3A_866 : f32 to vector<16xf32>
        %select_n3A_869 = arith.select %and3A_864, %broadcast_in_dim3A_867, %broadcast_in_dim3A_868 : vector<16xi1>, vector<16xf32>
        %mul3A_870 = arith.mulf %get3A_473, %get3A_479 : vector<16xf32>
        %add3A_871 = arith.addf %mul3A_870, %mul3A_811 : vector<16xf32>
        %sub3A_872 = arith.subf %add3A_871, %select_n3A_869 : vector<16xf32>
        %mul3A_873 = arith.mulf %select_n3A_869, %sub3A_841 : vector<16xf32>
        %mul3A_874 = arith.mulf %select_n3A_838, %sub3A_872 : vector<16xf32>
        %sub3A_875 = arith.subf %mul3A_873, %mul3A_874 : vector<16xf32>
        %mul3A_876 = arith.mulf %sub3A_841, %sub3A_872 : vector<16xf32>
        %mul3A_877 = arith.mulf %sub3A_875, %mul3A_876 : vector<16xf32>
        %gt3A = arith.constant 0.000000e+00 : f32
        %gt3A_878 = vector.broadcast %gt3A : f32 to vector<16xf32>
        %gt3A_879 = arith.cmpf ogt, %mul3A_877, %gt3A_878 : vector<16xf32>
        %select_n3A_880 = arith.select %gt3A_879, %mul3A_792, %mul3A_790 : vector<16xi1>, vector<16xf32>
        %mul3A_881 = arith.mulf %get3A_635, %select_n3A_880 : vector<16xf32>
        %sub3A_882 = arith.subf %get3A_461, %get3A_641 : vector<16xf32>
        %sub3A_883 = arith.subf %get3A_431, %get3A_611 : vector<16xf32>
        %select_n3A_884 = arith.select %gt3A_879, %sub3A_882, %sub3A_883 : vector<16xi1>, vector<16xf32>
        %sub3A_885 = arith.subf %get3A_467, %get3A_647 : vector<16xf32>
        %sub3A_886 = arith.subf %get3A_437, %get3A_617 : vector<16xf32>
        %select_n3A_887 = arith.select %gt3A_879, %sub3A_885, %sub3A_886 : vector<16xi1>, vector<16xf32>
        %mul3A_888 = arith.mulf %select_n3A_884, %select_n3A_884 : vector<16xf32>
        %mul3A_889 = arith.mulf %select_n3A_887, %select_n3A_887 : vector<16xf32>
        %add3A_890 = arith.addf %mul3A_888, %mul3A_889 : vector<16xf32>
        %select_n3A_891 = arith.select %gt3A_879, %get3A_473, %get3A_443 : vector<16xi1>, vector<16xf32>
        %select_n3A_892 = arith.select %gt3A_879, %get3A_653, %get3A_623 : vector<16xi1>, vector<16xf32>
        %select_n3A_893 = arith.select %gt3A_879, %get3A_479, %get3A_449 : vector<16xi1>, vector<16xf32>
        %select_n3A_894 = arith.select %gt3A_879, %get3A_659, %get3A_629 : vector<16xi1>, vector<16xf32>
        %add3A_895 = arith.addf %select_n3A_891, %select_n3A_892 : vector<16xf32>
        %add3A_896 = arith.addf %add3A_895, %select_n3A_893 : vector<16xf32>
        %add3A_897 = arith.addf %add3A_896, %select_n3A_894 : vector<16xf32>
        %mul3A_898 = arith.mulf %select_n3A_891, %select_n3A_892 : vector<16xf32>
        %bitcast_convert_type3A = tpu.bitcast %mul3A_898 : vector<16xf32> -> vector<16xi32>
        %shift_right_logical3A = arith.constant 1 : i32
        %shift_right_logical3A_899 = vector.broadcast %shift_right_logical3A : i32 to vector<16xi32>
        %shift_right_logical3A_900 = arith.shrui %bitcast_convert_type3A, %shift_right_logical3A_899 : vector<16xi32>
        %sub3A_901 = arith.constant 1597463007 : i32
        %sub3A_902 = vector.broadcast %sub3A_901 : i32 to vector<16xi32>
        %sub3A_903 = arith.subi %sub3A_902, %shift_right_logical3A_900 : vector<16xi32>
        %bitcast_convert_type3A_904 = tpu.bitcast %sub3A_903 : vector<16xi32> -> vector<16xf32>
        %mul3A_905 = arith.mulf %mul3A_898, %bitcast_convert_type3A_904 : vector<16xf32>
        %mul3A_906 = arith.mulf %mul3A_905, %bitcast_convert_type3A_904 : vector<16xf32>
        %mul3A_907 = arith.constant 1.250000e-01 : f32
        %mul3A_908 = vector.broadcast %mul3A_907 : f32 to vector<16xf32>
        %mul3A_909 = arith.mulf %mul3A_908, %bitcast_convert_type3A_904 : vector<16xf32>
        %mul3A_910 = arith.constant 3.000000e+00 : f32
        %mul3A_911 = vector.broadcast %mul3A_910 : f32 to vector<16xf32>
        %mul3A_912 = arith.mulf %mul3A_911, %mul3A_906 : vector<16xf32>
        %sub3A_913 = arith.constant 1.000000e+01 : f32
        %sub3A_914 = vector.broadcast %sub3A_913 : f32 to vector<16xf32>
        %sub3A_915 = arith.subf %sub3A_914, %mul3A_912 : vector<16xf32>
        %mul3A_916 = arith.mulf %mul3A_906, %sub3A_915 : vector<16xf32>
        %sub3A_917 = arith.constant 1.500000e+01 : f32
        %sub3A_918 = vector.broadcast %sub3A_917 : f32 to vector<16xf32>
        %sub3A_919 = arith.subf %sub3A_918, %mul3A_916 : vector<16xf32>
        %mul3A_920 = arith.mulf %mul3A_909, %sub3A_919 : vector<16xf32>
        %mul3A_921 = arith.mulf %mul3A_898, %mul3A_920 : vector<16xf32>
        %mul3A_922 = arith.mulf %select_n3A_893, %select_n3A_894 : vector<16xf32>
        %bitcast_convert_type3A_923 = tpu.bitcast %mul3A_922 : vector<16xf32> -> vector<16xi32>
        %shift_right_logical3A_924 = arith.constant 1 : i32
        %shift_right_logical3A_925 = vector.broadcast %shift_right_logical3A_924 : i32 to vector<16xi32>
        %shift_right_logical3A_926 = arith.shrui %bitcast_convert_type3A_923, %shift_right_logical3A_925 : vector<16xi32>
        %sub3A_927 = arith.constant 1597463007 : i32
        %sub3A_928 = vector.broadcast %sub3A_927 : i32 to vector<16xi32>
        %sub3A_929 = arith.subi %sub3A_928, %shift_right_logical3A_926 : vector<16xi32>
        %bitcast_convert_type3A_930 = tpu.bitcast %sub3A_929 : vector<16xi32> -> vector<16xf32>
        %mul3A_931 = arith.mulf %mul3A_922, %bitcast_convert_type3A_930 : vector<16xf32>
        %mul3A_932 = arith.mulf %mul3A_931, %bitcast_convert_type3A_930 : vector<16xf32>
        %mul3A_933 = arith.constant 1.250000e-01 : f32
        %mul3A_934 = vector.broadcast %mul3A_933 : f32 to vector<16xf32>
        %mul3A_935 = arith.mulf %mul3A_934, %bitcast_convert_type3A_930 : vector<16xf32>
        %mul3A_936 = arith.constant 3.000000e+00 : f32
        %mul3A_937 = vector.broadcast %mul3A_936 : f32 to vector<16xf32>
        %mul3A_938 = arith.mulf %mul3A_937, %mul3A_932 : vector<16xf32>
        %sub3A_939 = arith.constant 1.000000e+01 : f32
        %sub3A_940 = vector.broadcast %sub3A_939 : f32 to vector<16xf32>
        %sub3A_941 = arith.subf %sub3A_940, %mul3A_938 : vector<16xf32>
        %mul3A_942 = arith.mulf %mul3A_932, %sub3A_941 : vector<16xf32>
        %sub3A_943 = arith.constant 1.500000e+01 : f32
        %sub3A_944 = vector.broadcast %sub3A_943 : f32 to vector<16xf32>
        %sub3A_945 = arith.subf %sub3A_944, %mul3A_942 : vector<16xf32>
        %mul3A_946 = arith.mulf %mul3A_935, %sub3A_945 : vector<16xf32>
        %mul3A_947 = arith.mulf %mul3A_922, %mul3A_946 : vector<16xf32>
        %add3A_948 = arith.addf %mul3A_921, %mul3A_947 : vector<16xf32>
        %mul3A_949 = arith.constant 2.000000e+00 : f32
        %mul3A_950 = vector.broadcast %mul3A_949 : f32 to vector<16xf32>
        %mul3A_951 = arith.mulf %mul3A_950, %add3A_948 : vector<16xf32>
        %sub3A_952 = arith.subf %add3A_897, %mul3A_951 : vector<16xf32>
        %sub3A_953 = arith.subf %get3A_491, %get3A_671 : vector<16xf32>
        %mul3A_954 = arith.mulf %sub3A_953, %sub3A_953 : vector<16xf32>
        %sub3A_955 = arith.subf %get3A_497, %get3A_677 : vector<16xf32>
        %mul3A_956 = arith.mulf %sub3A_955, %sub3A_955 : vector<16xf32>
        %sub3A_957 = arith.subf %get3A_503, %get3A_683 : vector<16xf32>
        %mul3A_958 = arith.mulf %sub3A_957, %sub3A_957 : vector<16xf32>
        %sub3A_959 = arith.subf %get3A_509, %get3A_689 : vector<16xf32>
        %mul3A_960 = arith.mulf %sub3A_959, %sub3A_959 : vector<16xf32>
        %sub3A_961 = arith.subf %get3A_515, %get3A_695 : vector<16xf32>
        %mul3A_962 = arith.mulf %sub3A_961, %sub3A_961 : vector<16xf32>
        %sub3A_963 = arith.subf %get3A_521, %get3A_701 : vector<16xf32>
        %mul3A_964 = arith.mulf %sub3A_963, %sub3A_963 : vector<16xf32>
        %sub3A_965 = arith.subf %get3A_527, %get3A_707 : vector<16xf32>
        %mul3A_966 = arith.mulf %sub3A_965, %sub3A_965 : vector<16xf32>
        %sub3A_967 = arith.subf %get3A_533, %get3A_713 : vector<16xf32>
        %mul3A_968 = arith.mulf %sub3A_967, %sub3A_967 : vector<16xf32>
        %sub3A_969 = arith.subf %get3A_539, %get3A_719 : vector<16xf32>
        %mul3A_970 = arith.mulf %sub3A_969, %sub3A_969 : vector<16xf32>
        %sub3A_971 = arith.subf %get3A_545, %get3A_725 : vector<16xf32>
        %mul3A_972 = arith.mulf %sub3A_971, %sub3A_971 : vector<16xf32>
        %sub3A_973 = arith.subf %get3A_551, %get3A_731 : vector<16xf32>
        %mul3A_974 = arith.mulf %sub3A_973, %sub3A_973 : vector<16xf32>
        %sub3A_975 = arith.subf %get3A_557, %get3A_737 : vector<16xf32>
        %mul3A_976 = arith.mulf %sub3A_975, %sub3A_975 : vector<16xf32>
        %sub3A_977 = arith.subf %get3A_563, %get3A_743 : vector<16xf32>
        %mul3A_978 = arith.mulf %sub3A_977, %sub3A_977 : vector<16xf32>
        %sub3A_979 = arith.subf %get3A_569, %get3A_749 : vector<16xf32>
        %mul3A_980 = arith.mulf %sub3A_979, %sub3A_979 : vector<16xf32>
        %sub3A_981 = arith.subf %get3A_575, %get3A_755 : vector<16xf32>
        %mul3A_982 = arith.mulf %sub3A_981, %sub3A_981 : vector<16xf32>
        %sub3A_983 = arith.subf %get3A_581, %get3A_761 : vector<16xf32>
        %mul3A_984 = arith.mulf %sub3A_983, %sub3A_983 : vector<16xf32>
        %sub3A_985 = arith.subf %get3A_587, %get3A_767 : vector<16xf32>
        %mul3A_986 = arith.mulf %sub3A_985, %sub3A_985 : vector<16xf32>
        %sub3A_987 = arith.subf %get3A_593, %get3A_773 : vector<16xf32>
        %mul3A_988 = arith.mulf %sub3A_987, %sub3A_987 : vector<16xf32>
        %sub3A_989 = arith.subf %get3A_599, %get3A_779 : vector<16xf32>
        %mul3A_990 = arith.mulf %sub3A_989, %sub3A_989 : vector<16xf32>
        %sub3A_991 = arith.subf %get3A_605, %get3A_785 : vector<16xf32>
        %mul3A_992 = arith.mulf %sub3A_991, %sub3A_991 : vector<16xf32>
        %add3A_993 = arith.addf %mul3A_954, %mul3A_956 : vector<16xf32>
        %add3A_994 = arith.addf %mul3A_958, %mul3A_960 : vector<16xf32>
        %add3A_995 = arith.addf %mul3A_962, %mul3A_964 : vector<16xf32>
        %add3A_996 = arith.addf %mul3A_966, %mul3A_968 : vector<16xf32>
        %add3A_997 = arith.addf %mul3A_970, %mul3A_972 : vector<16xf32>
        %add3A_998 = arith.addf %mul3A_974, %mul3A_976 : vector<16xf32>
        %add3A_999 = arith.addf %mul3A_978, %mul3A_980 : vector<16xf32>
        %add3A_1000 = arith.addf %mul3A_982, %mul3A_984 : vector<16xf32>
        %add3A_1001 = arith.addf %mul3A_986, %mul3A_988 : vector<16xf32>
        %add3A_1002 = arith.addf %mul3A_990, %mul3A_992 : vector<16xf32>
        %add3A_1003 = arith.addf %add3A_993, %add3A_994 : vector<16xf32>
        %add3A_1004 = arith.addf %add3A_995, %add3A_996 : vector<16xf32>
        %add3A_1005 = arith.addf %add3A_997, %add3A_998 : vector<16xf32>
        %add3A_1006 = arith.addf %add3A_999, %add3A_1000 : vector<16xf32>
        %add3A_1007 = arith.addf %add3A_1001, %add3A_1002 : vector<16xf32>
        %add3A_1008 = arith.addf %add3A_1003, %add3A_1004 : vector<16xf32>
        %add3A_1009 = arith.addf %add3A_1005, %add3A_1006 : vector<16xf32>
        %add3A_1010 = arith.addf %add3A_1008, %add3A_1009 : vector<16xf32>
        %add3A_1011 = arith.addf %add3A_1010, %add3A_1007 : vector<16xf32>
        %add3A_1012 = arith.addf %add3A_890, %sub3A_952 : vector<16xf32>
        %mul3A_1013 = arith.constant 5.000000e+00 : f32
        %mul3A_1014 = vector.broadcast %mul3A_1013 : f32 to vector<16xf32>
        %mul3A_1015 = arith.mulf %mul3A_1014, %add3A_1012 : vector<16xf32>
        %add3A_1016 = arith.addf %mul3A_1015, %add3A_1011 : vector<16xf32>
        %mul3A_1017 = arith.mulf %add3A_1016, %get3A_635 : vector<16xf32>
        %mul3A_1018 = arith.constant 5.000000e-01 : f32
        %mul3A_1019 = vector.broadcast %mul3A_1018 : f32 to vector<16xf32>
        %mul3A_1020 = arith.mulf %mul3A_1019, %mul3A_794 : vector<16xf32>
        %add3A_1021 = arith.addf %mul3A_881, %mul3A_1020 : vector<16xf32>
        %add3A_1022 = arith.addf %mul3A_1017, %add3A_1021 : vector<16xf32>
        %add3A_1023 = arith.addf %scan3A_426, %add3A_1022 : vector<16xf32>
        scf.yield %add3A_1023 : vector<16xf32>
      }
      %scan3A_258 = arith.constant 8 : i32
      %jit3A_259 = arith.constant 0.000000e+00 : f32
      %broadcast_in_dim3A_260 = vector.broadcast %jit3A_259 : f32 to vector<16xf32>
      %select_n3A_261 = arith.select %lt3A_250, %scan3A_257, %broadcast_in_dim3A_260 : vector<16xf32>
      %add3A_262 = arith.addf %scan3A_196, %select_n3A_261 : vector<16xf32>
      %add3A_263 = arith.constant 64 : i32
      %add3A_264 = arith.addi %add3A_199, %add3A_263 : i32
      %min3A_265 = arith.constant 391 : i32
      %min3A_266 = arith.minsi %add3A_264, %min3A_265 : i32
      %shift_right_arithmetic3A_267 = arith.constant 3 : i32
      %shift_right_arithmetic3A_268 = arith.shrsi %min3A_266, %shift_right_arithmetic3A_267 : i32
      %and3A_269 = arith.constant 7 : i32
      %and3A_270 = arith.andi %min3A_266, %and3A_269 : i32
      %jit3A_271 = arith.constant 7 : i32
      %div3A_272 = arith.divsi %shift_right_arithmetic3A_268, %jit3A_271 : i32
      %sign3A_273 = arith.constant 0 : i32
      %sign3A_274 = arith.cmpi sgt, %shift_right_arithmetic3A_268, %sign3A_273 : i32
      %sign3A_275 = arith.extui %sign3A_274 : i1 to i32
      %sign3A_276 = arith.constant 0 : i32
      %sign3A_277 = arith.cmpi slt, %shift_right_arithmetic3A_268, %sign3A_276 : i32
      %sign3A_278 = arith.extui %sign3A_277 : i1 to i32
      %sign3A_279 = arith.subi %sign3A_275, %sign3A_278 : i32
      %sign3A_280 = arith.constant 0 : i32
      %sign3A_281 = arith.cmpi sgt, %jit3A_271, %sign3A_280 : i32
      %sign3A_282 = arith.extui %sign3A_281 : i1 to i32
      %sign3A_283 = arith.constant 0 : i32
      %sign3A_284 = arith.cmpi slt, %jit3A_271, %sign3A_283 : i32
      %sign3A_285 = arith.extui %sign3A_284 : i1 to i32
      %sign3A_286 = arith.subi %sign3A_282, %sign3A_285 : i32
      %ne3A_287 = arith.cmpi ne, %sign3A_279, %sign3A_286 : i32
      %rem3A_288 = arith.remsi %shift_right_arithmetic3A_268, %jit3A_271 : i32
      %ne3A_289 = arith.constant 0 : i32
      %ne3A_290 = arith.cmpi ne, %rem3A_288, %ne3A_289 : i32
      %and3A_291 = arith.andi %ne3A_287, %ne3A_290 : i1
      %sub3A_292 = arith.constant 1 : i32
      %sub3A_293 = arith.subi %div3A_272, %sub3A_292 : i32
      %select_n3A_294 = arith.select %and3A_291, %sub3A_293, %div3A_272 : i32
      %mul3A_295 = arith.constant 7 : i32
      %mul3A_296 = arith.muli %select_n3A_294, %mul3A_295 : i32
      %sub3A_297 = arith.subi %shift_right_arithmetic3A_268, %mul3A_296 : i32
      %mul3A_298 = arith.constant 128 : i32
      %mul3A_299 = arith.muli %and3A_270, %mul3A_298 : i32
      %multiple_of3A_300 = tpu.assume_multiple %mul3A_299, 128 : i32
      %dma_start3A_301 = arith.constant 0 : i32
      %dma_start3A_302 = tpu.memref_slice %arg2[%select_n3A_294, %sub3A_297, %dma_start3A_301, %multiple_of3A_300] : memref<7x7x30x1024xf32, #tpu.memory_space<hbm>> -> memref<1x1x30x128xf32, #tpu.memory_space<hbm>>
      %dma_start3A_303 = tpu.memref_squeeze %dma_start3A_302 : memref<1x1x30x128xf32, #tpu.memory_space<hbm>> -> memref<30x128xf32, #tpu.memory_space<hbm>>
      %dma_start3A_304 = arith.constant 0 : i32
      %dma_start3A_305 = tpu.memref_slice %arg2[%select_n3A_294, %sub3A_297, %dma_start3A_304, %multiple_of3A_300] : memref<7x7x30x1024xf32, #tpu.memory_space<hbm>> -> memref<1x1x30x128xf32, #tpu.memory_space<hbm>>
      %dma_start3A_306 = tpu.memref_squeeze %dma_start3A_305 : memref<1x1x30x128xf32, #tpu.memory_space<hbm>> -> memref<30x128xf32, #tpu.memory_space<hbm>>
      tpu.enqueue_dma source(%dma_start3A_306 : memref<30x128xf32, #tpu.memory_space<hbm>>) target(%arg5 : memref<30x128xf32, #tpu.memory_space<vmem>>) target_semaphore(%arg10 : memref<!tpu.dma_semaphore, #tpu.memory_space<semaphore_mem>>)
      %dma_start3A_307 = arith.constant 0 : i32
      %dma_start3A_308 = tpu.memref_slice %arg3[%select_n3A_294, %sub3A_297, %dma_start3A_307, %multiple_of3A_300] : memref<7x7x30x1024xf32, #tpu.memory_space<hbm>> -> memref<1x1x30x128xf32, #tpu.memory_space<hbm>>
      %dma_start3A_309 = tpu.memref_squeeze %dma_start3A_308 : memref<1x1x30x128xf32, #tpu.memory_space<hbm>> -> memref<30x128xf32, #tpu.memory_space<hbm>>
      %dma_start3A_310 = arith.constant 0 : i32
      %dma_start3A_311 = tpu.memref_slice %arg3[%select_n3A_294, %sub3A_297, %dma_start3A_310, %multiple_of3A_300] : memref<7x7x30x1024xf32, #tpu.memory_space<hbm>> -> memref<1x1x30x128xf32, #tpu.memory_space<hbm>>
      %dma_start3A_312 = tpu.memref_squeeze %dma_start3A_311 : memref<1x1x30x128xf32, #tpu.memory_space<hbm>> -> memref<30x128xf32, #tpu.memory_space<hbm>>
      tpu.enqueue_dma source(%dma_start3A_312 : memref<30x128xf32, #tpu.memory_space<hbm>>) target(%arg7 : memref<30x128xf32, #tpu.memory_space<vmem>>) target_semaphore(%arg10 : memref<!tpu.dma_semaphore, #tpu.memory_space<semaphore_mem>>)
      %min3A_313 = arith.constant 391 : i32
      %min3A_314 = arith.minsi %add3A_201, %min3A_313 : i32
      %shift_right_arithmetic3A_315 = arith.constant 3 : i32
      %shift_right_arithmetic3A_316 = arith.shrsi %min3A_314, %shift_right_arithmetic3A_315 : i32
      %and3A_317 = arith.constant 7 : i32
      %and3A_318 = arith.andi %min3A_314, %and3A_317 : i32
      %jit3A_319 = arith.constant 7 : i32
      %div3A_320 = arith.divsi %shift_right_arithmetic3A_316, %jit3A_319 : i32
      %sign3A_321 = arith.constant 0 : i32
      %sign3A_322 = arith.cmpi sgt, %shift_right_arithmetic3A_316, %sign3A_321 : i32
      %sign3A_323 = arith.extui %sign3A_322 : i1 to i32
      %sign3A_324 = arith.constant 0 : i32
      %sign3A_325 = arith.cmpi slt, %shift_right_arithmetic3A_316, %sign3A_324 : i32
      %sign3A_326 = arith.extui %sign3A_325 : i1 to i32
      %sign3A_327 = arith.subi %sign3A_323, %sign3A_326 : i32
      %sign3A_328 = arith.constant 0 : i32
      %sign3A_329 = arith.cmpi sgt, %jit3A_319, %sign3A_328 : i32
      %sign3A_330 = arith.extui %sign3A_329 : i1 to i32
      %sign3A_331 = arith.constant 0 : i32
      %sign3A_332 = arith.cmpi slt, %jit3A_319, %sign3A_331 : i32
      %sign3A_333 = arith.extui %sign3A_332 : i1 to i32
      %sign3A_334 = arith.subi %sign3A_330, %sign3A_333 : i32
      %ne3A_335 = arith.cmpi ne, %sign3A_327, %sign3A_334 : i32
      %rem3A_336 = arith.remsi %shift_right_arithmetic3A_316, %jit3A_319 : i32
      %ne3A_337 = arith.constant 0 : i32
      %ne3A_338 = arith.cmpi ne, %rem3A_336, %ne3A_337 : i32
      %and3A_339 = arith.andi %ne3A_335, %ne3A_338 : i1
      %sub3A_340 = arith.constant 1 : i32
      %sub3A_341 = arith.subi %div3A_320, %sub3A_340 : i32
      %select_n3A_342 = arith.select %and3A_339, %sub3A_341, %div3A_320 : i32
      %mul3A_343 = arith.constant 7 : i32
      %mul3A_344 = arith.muli %select_n3A_342, %mul3A_343 : i32
      %sub3A_345 = arith.subi %shift_right_arithmetic3A_316, %mul3A_344 : i32
      %mul3A_346 = arith.constant 128 : i32
      %mul3A_347 = arith.muli %and3A_318, %mul3A_346 : i32
      %multiple_of3A_348 = tpu.assume_multiple %mul3A_347, 128 : i32
      %dma_wait3A_349 = arith.constant 0 : i32
      %dma_wait3A_350 = tpu.memref_slice %arg2[%select_n3A_342, %sub3A_345, %dma_wait3A_349, %multiple_of3A_348] : memref<7x7x30x1024xf32, #tpu.memory_space<hbm>> -> memref<1x1x30x128xf32, #tpu.memory_space<hbm>>
      %dma_wait3A_351 = tpu.memref_squeeze %dma_wait3A_350 : memref<1x1x30x128xf32, #tpu.memory_space<hbm>> -> memref<30x128xf32, #tpu.memory_space<hbm>>
      %dma_wait3A_352 = arith.constant 0 : i32
      %dma_wait3A_353 = tpu.memref_slice %arg2[%select_n3A_342, %sub3A_345, %dma_wait3A_352, %multiple_of3A_348] : memref<7x7x30x1024xf32, #tpu.memory_space<hbm>> -> memref<1x1x30x128xf32, #tpu.memory_space<hbm>>
      %dma_wait3A_354 = tpu.memref_squeeze %dma_wait3A_353 : memref<1x1x30x128xf32, #tpu.memory_space<hbm>> -> memref<30x128xf32, #tpu.memory_space<hbm>>
      tpu.wait_dma2 semaphore(%arg11 : memref<!tpu.dma_semaphore, #tpu.memory_space<semaphore_mem>>) src(%dma_wait3A_354 : memref<30x128xf32, #tpu.memory_space<hbm>>) dst(%arg6 : memref<30x128xf32, #tpu.memory_space<vmem>>)
      %dma_wait3A_355 = arith.constant 0 : i32
      %dma_wait3A_356 = tpu.memref_slice %arg3[%select_n3A_342, %sub3A_345, %dma_wait3A_355, %multiple_of3A_348] : memref<7x7x30x1024xf32, #tpu.memory_space<hbm>> -> memref<1x1x30x128xf32, #tpu.memory_space<hbm>>
      %dma_wait3A_357 = tpu.memref_squeeze %dma_wait3A_356 : memref<1x1x30x128xf32, #tpu.memory_space<hbm>> -> memref<30x128xf32, #tpu.memory_space<hbm>>
      %dma_wait3A_358 = arith.constant 0 : i32
      %dma_wait3A_359 = tpu.memref_slice %arg3[%select_n3A_342, %sub3A_345, %dma_wait3A_358, %multiple_of3A_348] : memref<7x7x30x1024xf32, #tpu.memory_space<hbm>> -> memref<1x1x30x128xf32, #tpu.memory_space<hbm>>
      %dma_wait3A_360 = tpu.memref_squeeze %dma_wait3A_359 : memref<1x1x30x128xf32, #tpu.memory_space<hbm>> -> memref<30x128xf32, #tpu.memory_space<hbm>>
      tpu.wait_dma2 semaphore(%arg11 : memref<!tpu.dma_semaphore, #tpu.memory_space<semaphore_mem>>) src(%dma_wait3A_360 : memref<30x128xf32, #tpu.memory_space<hbm>>) dst(%arg8 : memref<30x128xf32, #tpu.memory_space<vmem>>)
      %lt3A_361 = arith.constant 392 : i32
      %lt3A_362 = arith.cmpi slt, %add3A_201, %lt3A_361 : i32
      %broadcast_in_dim3A_363 = arith.constant 0.000000e+00 : f32
      %broadcast_in_dim3A_364 = vector.broadcast %broadcast_in_dim3A_363 : f32 to vector<16xf32>
      %scan3A_365 = arith.constant 0 : i32
      %scan3A_366 = arith.constant 8 : i32
      %scan3A_367 = arith.addi %scan3A_365, %scan3A_366 : i32
      %scan3A_368 = arith.constant 1 : i32
      %scan3A_369 = scf.for %scan3A_425 = %scan3A_365 to %scan3A_367 step %scan3A_368 iter_args(%scan3A_426 = %broadcast_in_dim3A_364) -> (vector<16xf32>)  : i32 {
        %mul3A_427 = arith.constant 16 : i32
        %mul3A_428 = arith.muli %scan3A_425, %mul3A_427 : i32
        %get3A = arith.constant 0 : i32
        %get3A_429 = arith.index_cast %get3A : i32 to index
        %get3A_430 = arith.index_cast %mul3A_428 : i32 to index
        %get3A_431 = tpu.vector_load %arg6[%get3A_429, %get3A_430] {strides = array<i32>} : memref<30x128xf32, #tpu.memory_space<vmem>>, vector<16xf32>,
        %mul3A_432 = arith.constant 16 : i32
        %mul3A_433 = arith.muli %scan3A_425, %mul3A_432 : i32
        %get3A_434 = arith.constant 1 : i32
        %get3A_435 = arith.index_cast %get3A_434 : i32 to index
        %get3A_436 = arith.index_cast %mul3A_433 : i32 to index
        %get3A_437 = tpu.vector_load %arg6[%get3A_435, %get3A_436] {strides = array<i32>} : memref<30x128xf32, #tpu.memory_space<vmem>>, vector<16xf32>,
        %mul3A_438 = arith.constant 16 : i32
        %mul3A_439 = arith.muli %scan3A_425, %mul3A_438 : i32
        %get3A_440 = arith.constant 2 : i32
        %get3A_441 = arith.index_cast %get3A_440 : i32 to index
        %get3A_442 = arith.index_cast %mul3A_439 : i32 to index
        %get3A_443 = tpu.vector_load %arg6[%get3A_441, %get3A_442] {strides = array<i32>} : memref<30x128xf32, #tpu.memory_space<vmem>>, vector<16xf32>,
        %mul3A_444 = arith.constant 16 : i32
        %mul3A_445 = arith.muli %scan3A_425, %mul3A_444 : i32
        %get3A_446 = arith.constant 3 : i32
        %get3A_447 = arith.index_cast %get3A_446 : i32 to index
        %get3A_448 = arith.index_cast %mul3A_445 : i32 to index
        %get3A_449 = tpu.vector_load %arg6[%get3A_447, %get3A_448] {strides = array<i32>} : memref<30x128xf32, #tpu.memory_space<vmem>>, vector<16xf32>,
        %mul3A_450 = arith.constant 16 : i32
        %mul3A_451 = arith.muli %scan3A_425, %mul3A_450 : i32
        %get3A_452 = arith.constant 4 : i32
        %get3A_453 = arith.index_cast %get3A_452 : i32 to index
        %get3A_454 = arith.index_cast %mul3A_451 : i32 to index
        %get3A_455 = tpu.vector_load %arg6[%get3A_453, %get3A_454] {strides = array<i32>} : memref<30x128xf32, #tpu.memory_space<vmem>>, vector<16xf32>,
        %mul3A_456 = arith.constant 16 : i32
        %mul3A_457 = arith.muli %scan3A_425, %mul3A_456 : i32
        %get3A_458 = arith.constant 5 : i32
        %get3A_459 = arith.index_cast %get3A_458 : i32 to index
        %get3A_460 = arith.index_cast %mul3A_457 : i32 to index
        %get3A_461 = tpu.vector_load %arg6[%get3A_459, %get3A_460] {strides = array<i32>} : memref<30x128xf32, #tpu.memory_space<vmem>>, vector<16xf32>,
        %mul3A_462 = arith.constant 16 : i32
        %mul3A_463 = arith.muli %scan3A_425, %mul3A_462 : i32
        %get3A_464 = arith.constant 6 : i32
        %get3A_465 = arith.index_cast %get3A_464 : i32 to index
        %get3A_466 = arith.index_cast %mul3A_463 : i32 to index
        %get3A_467 = tpu.vector_load %arg6[%get3A_465, %get3A_466] {strides = array<i32>} : memref<30x128xf32, #tpu.memory_space<vmem>>, vector<16xf32>,
        %mul3A_468 = arith.constant 16 : i32
        %mul3A_469 = arith.muli %scan3A_425, %mul3A_468 : i32
        %get3A_470 = arith.constant 7 : i32
        %get3A_471 = arith.index_cast %get3A_470 : i32 to index
        %get3A_472 = arith.index_cast %mul3A_469 : i32 to index
        %get3A_473 = tpu.vector_load %arg6[%get3A_471, %get3A_472] {strides = array<i32>} : memref<30x128xf32, #tpu.memory_space<vmem>>, vector<16xf32>,
        %mul3A_474 = arith.constant 16 : i32
        %mul3A_475 = arith.muli %scan3A_425, %mul3A_474 : i32
        %get3A_476 = arith.constant 8 : i32
        %get3A_477 = arith.index_cast %get3A_476 : i32 to index
        %get3A_478 = arith.index_cast %mul3A_475 : i32 to index
        %get3A_479 = tpu.vector_load %arg6[%get3A_477, %get3A_478] {strides = array<i32>} : memref<30x128xf32, #tpu.memory_space<vmem>>, vector<16xf32>,
        %mul3A_480 = arith.constant 16 : i32
        %mul3A_481 = arith.muli %scan3A_425, %mul3A_480 : i32
        %get3A_482 = arith.constant 9 : i32
        %get3A_483 = arith.index_cast %get3A_482 : i32 to index
        %get3A_484 = arith.index_cast %mul3A_481 : i32 to index
        %get3A_485 = tpu.vector_load %arg6[%get3A_483, %get3A_484] {strides = array<i32>} : memref<30x128xf32, #tpu.memory_space<vmem>>, vector<16xf32>,
        %mul3A_486 = arith.constant 16 : i32
        %mul3A_487 = arith.muli %scan3A_425, %mul3A_486 : i32
        %get3A_488 = arith.constant 10 : i32
        %get3A_489 = arith.index_cast %get3A_488 : i32 to index
        %get3A_490 = arith.index_cast %mul3A_487 : i32 to index
        %get3A_491 = tpu.vector_load %arg6[%get3A_489, %get3A_490] {strides = array<i32>} : memref<30x128xf32, #tpu.memory_space<vmem>>, vector<16xf32>,
        %mul3A_492 = arith.constant 16 : i32
        %mul3A_493 = arith.muli %scan3A_425, %mul3A_492 : i32
        %get3A_494 = arith.constant 11 : i32
        %get3A_495 = arith.index_cast %get3A_494 : i32 to index
        %get3A_496 = arith.index_cast %mul3A_493 : i32 to index
        %get3A_497 = tpu.vector_load %arg6[%get3A_495, %get3A_496] {strides = array<i32>} : memref<30x128xf32, #tpu.memory_space<vmem>>, vector<16xf32>,
        %mul3A_498 = arith.constant 16 : i32
        %mul3A_499 = arith.muli %scan3A_425, %mul3A_498 : i32
        %get3A_500 = arith.constant 12 : i32
        %get3A_501 = arith.index_cast %get3A_500 : i32 to index
        %get3A_502 = arith.index_cast %mul3A_499 : i32 to index
        %get3A_503 = tpu.vector_load %arg6[%get3A_501, %get3A_502] {strides = array<i32>} : memref<30x128xf32, #tpu.memory_space<vmem>>, vector<16xf32>,
        %mul3A_504 = arith.constant 16 : i32
        %mul3A_505 = arith.muli %scan3A_425, %mul3A_504 : i32
        %get3A_506 = arith.constant 13 : i32
        %get3A_507 = arith.index_cast %get3A_506 : i32 to index
        %get3A_508 = arith.index_cast %mul3A_505 : i32 to index
        %get3A_509 = tpu.vector_load %arg6[%get3A_507, %get3A_508] {strides = array<i32>} : memref<30x128xf32, #tpu.memory_space<vmem>>, vector<16xf32>,
        %mul3A_510 = arith.constant 16 : i32
        %mul3A_511 = arith.muli %scan3A_425, %mul3A_510 : i32
        %get3A_512 = arith.constant 14 : i32
        %get3A_513 = arith.index_cast %get3A_512 : i32 to index
        %get3A_514 = arith.index_cast %mul3A_511 : i32 to index
        %get3A_515 = tpu.vector_load %arg6[%get3A_513, %get3A_514] {strides = array<i32>} : memref<30x128xf32, #tpu.memory_space<vmem>>, vector<16xf32>,
        %mul3A_516 = arith.constant 16 : i32
        %mul3A_517 = arith.muli %scan3A_425, %mul3A_516 : i32
        %get3A_518 = arith.constant 15 : i32
        %get3A_519 = arith.index_cast %get3A_518 : i32 to index
        %get3A_520 = arith.index_cast %mul3A_517 : i32 to index
        %get3A_521 = tpu.vector_load %arg6[%get3A_519, %get3A_520] {strides = array<i32>} : memref<30x128xf32, #tpu.memory_space<vmem>>, vector<16xf32>,
        %mul3A_522 = arith.constant 16 : i32
        %mul3A_523 = arith.muli %scan3A_425, %mul3A_522 : i32
        %get3A_524 = arith.constant 16 : i32
        %get3A_525 = arith.index_cast %get3A_524 : i32 to index
        %get3A_526 = arith.index_cast %mul3A_523 : i32 to index
        %get3A_527 = tpu.vector_load %arg6[%get3A_525, %get3A_526] {strides = array<i32>} : memref<30x128xf32, #tpu.memory_space<vmem>>, vector<16xf32>,
        %mul3A_528 = arith.constant 16 : i32
        %mul3A_529 = arith.muli %scan3A_425, %mul3A_528 : i32
        %get3A_530 = arith.constant 17 : i32
        %get3A_531 = arith.index_cast %get3A_530 : i32 to index
        %get3A_532 = arith.index_cast %mul3A_529 : i32 to index
        %get3A_533 = tpu.vector_load %arg6[%get3A_531, %get3A_532] {strides = array<i32>} : memref<30x128xf32, #tpu.memory_space<vmem>>, vector<16xf32>,
        %mul3A_534 = arith.constant 16 : i32
        %mul3A_535 = arith.muli %scan3A_425, %mul3A_534 : i32
        %get3A_536 = arith.constant 18 : i32
        %get3A_537 = arith.index_cast %get3A_536 : i32 to index
        %get3A_538 = arith.index_cast %mul3A_535 : i32 to index
        %get3A_539 = tpu.vector_load %arg6[%get3A_537, %get3A_538] {strides = array<i32>} : memref<30x128xf32, #tpu.memory_space<vmem>>, vector<16xf32>,
        %mul3A_540 = arith.constant 16 : i32
        %mul3A_541 = arith.muli %scan3A_425, %mul3A_540 : i32
        %get3A_542 = arith.constant 19 : i32
        %get3A_543 = arith.index_cast %get3A_542 : i32 to index
        %get3A_544 = arith.index_cast %mul3A_541 : i32 to index
        %get3A_545 = tpu.vector_load %arg6[%get3A_543, %get3A_544] {strides = array<i32>} : memref<30x128xf32, #tpu.memory_space<vmem>>, vector<16xf32>,
        %mul3A_546 = arith.constant 16 : i32
        %mul3A_547 = arith.muli %scan3A_425, %mul3A_546 : i32
        %get3A_548 = arith.constant 20 : i32
        %get3A_549 = arith.index_cast %get3A_548 : i32 to index
        %get3A_550 = arith.index_cast %mul3A_547 : i32 to index
        %get3A_551 = tpu.vector_load %arg6[%get3A_549, %get3A_550] {strides = array<i32>} : memref<30x128xf32, #tpu.memory_space<vmem>>, vector<16xf32>,
        %mul3A_552 = arith.constant 16 : i32
        %mul3A_553 = arith.muli %scan3A_425, %mul3A_552 : i32
        %get3A_554 = arith.constant 21 : i32
        %get3A_555 = arith.index_cast %get3A_554 : i32 to index
        %get3A_556 = arith.index_cast %mul3A_553 : i32 to index
        %get3A_557 = tpu.vector_load %arg6[%get3A_555, %get3A_556] {strides = array<i32>} : memref<30x128xf32, #tpu.memory_space<vmem>>, vector<16xf32>,
        %mul3A_558 = arith.constant 16 : i32
        %mul3A_559 = arith.muli %scan3A_425, %mul3A_558 : i32
        %get3A_560 = arith.constant 22 : i32
        %get3A_561 = arith.index_cast %get3A_560 : i32 to index
        %get3A_562 = arith.index_cast %mul3A_559 : i32 to index
        %get3A_563 = tpu.vector_load %arg6[%get3A_561, %get3A_562] {strides = array<i32>} : memref<30x128xf32, #tpu.memory_space<vmem>>, vector<16xf32>,
        %mul3A_564 = arith.constant 16 : i32
        %mul3A_565 = arith.muli %scan3A_425, %mul3A_564 : i32
        %get3A_566 = arith.constant 23 : i32
        %get3A_567 = arith.index_cast %get3A_566 : i32 to index
        %get3A_568 = arith.index_cast %mul3A_565 : i32 to index
        %get3A_569 = tpu.vector_load %arg6[%get3A_567, %get3A_568] {strides = array<i32>} : memref<30x128xf32, #tpu.memory_space<vmem>>, vector<16xf32>,
        %mul3A_570 = arith.constant 16 : i32
        %mul3A_571 = arith.muli %scan3A_425, %mul3A_570 : i32
        %get3A_572 = arith.constant 24 : i32
        %get3A_573 = arith.index_cast %get3A_572 : i32 to index
        %get3A_574 = arith.index_cast %mul3A_571 : i32 to index
        %get3A_575 = tpu.vector_load %arg6[%get3A_573, %get3A_574] {strides = array<i32>} : memref<30x128xf32, #tpu.memory_space<vmem>>, vector<16xf32>,
        %mul3A_576 = arith.constant 16 : i32
        %mul3A_577 = arith.muli %scan3A_425, %mul3A_576 : i32
        %get3A_578 = arith.constant 25 : i32
        %get3A_579 = arith.index_cast %get3A_578 : i32 to index
        %get3A_580 = arith.index_cast %mul3A_577 : i32 to index
        %get3A_581 = tpu.vector_load %arg6[%get3A_579, %get3A_580] {strides = array<i32>} : memref<30x128xf32, #tpu.memory_space<vmem>>, vector<16xf32>,
        %mul3A_582 = arith.constant 16 : i32
        %mul3A_583 = arith.muli %scan3A_425, %mul3A_582 : i32
        %get3A_584 = arith.constant 26 : i32
        %get3A_585 = arith.index_cast %get3A_584 : i32 to index
        %get3A_586 = arith.index_cast %mul3A_583 : i32 to index
        %get3A_587 = tpu.vector_load %arg6[%get3A_585, %get3A_586] {strides = array<i32>} : memref<30x128xf32, #tpu.memory_space<vmem>>, vector<16xf32>,
        %mul3A_588 = arith.constant 16 : i32
        %mul3A_589 = arith.muli %scan3A_425, %mul3A_588 : i32
        %get3A_590 = arith.constant 27 : i32
        %get3A_591 = arith.index_cast %get3A_590 : i32 to index
        %get3A_592 = arith.index_cast %mul3A_589 : i32 to index
        %get3A_593 = tpu.vector_load %arg6[%get3A_591, %get3A_592] {strides = array<i32>} : memref<30x128xf32, #tpu.memory_space<vmem>>, vector<16xf32>,
        %mul3A_594 = arith.constant 16 : i32
        %mul3A_595 = arith.muli %scan3A_425, %mul3A_594 : i32
        %get3A_596 = arith.constant 28 : i32
        %get3A_597 = arith.index_cast %get3A_596 : i32 to index
        %get3A_598 = arith.index_cast %mul3A_595 : i32 to index
        %get3A_599 = tpu.vector_load %arg6[%get3A_597, %get3A_598] {strides = array<i32>} : memref<30x128xf32, #tpu.memory_space<vmem>>, vector<16xf32>,
        %mul3A_600 = arith.constant 16 : i32
        %mul3A_601 = arith.muli %scan3A_425, %mul3A_600 : i32
        %get3A_602 = arith.constant 29 : i32
        %get3A_603 = arith.index_cast %get3A_602 : i32 to index
        %get3A_604 = arith.index_cast %mul3A_601 : i32 to index
        %get3A_605 = tpu.vector_load %arg6[%get3A_603, %get3A_604] {strides = array<i32>} : memref<30x128xf32, #tpu.memory_space<vmem>>, vector<16xf32>,
        %mul3A_606 = arith.constant 16 : i32
        %mul3A_607 = arith.muli %scan3A_425, %mul3A_606 : i32
        %get3A_608 = arith.constant 0 : i32
        %get3A_609 = arith.index_cast %get3A_608 : i32 to index
        %get3A_610 = arith.index_cast %mul3A_607 : i32 to index
        %get3A_611 = tpu.vector_load %arg8[%get3A_609, %get3A_610] {strides = array<i32>} : memref<30x128xf32, #tpu.memory_space<vmem>>, vector<16xf32>,
        %mul3A_612 = arith.constant 16 : i32
        %mul3A_613 = arith.muli %scan3A_425, %mul3A_612 : i32
        %get3A_614 = arith.constant 1 : i32
        %get3A_615 = arith.index_cast %get3A_614 : i32 to index
        %get3A_616 = arith.index_cast %mul3A_613 : i32 to index
        %get3A_617 = tpu.vector_load %arg8[%get3A_615, %get3A_616] {strides = array<i32>} : memref<30x128xf32, #tpu.memory_space<vmem>>, vector<16xf32>,
        %mul3A_618 = arith.constant 16 : i32
        %mul3A_619 = arith.muli %scan3A_425, %mul3A_618 : i32
        %get3A_620 = arith.constant 2 : i32
        %get3A_621 = arith.index_cast %get3A_620 : i32 to index
        %get3A_622 = arith.index_cast %mul3A_619 : i32 to index
        %get3A_623 = tpu.vector_load %arg8[%get3A_621, %get3A_622] {strides = array<i32>} : memref<30x128xf32, #tpu.memory_space<vmem>>, vector<16xf32>,
        %mul3A_624 = arith.constant 16 : i32
        %mul3A_625 = arith.muli %scan3A_425, %mul3A_624 : i32
        %get3A_626 = arith.constant 3 : i32
        %get3A_627 = arith.index_cast %get3A_626 : i32 to index
        %get3A_628 = arith.index_cast %mul3A_625 : i32 to index
        %get3A_629 = tpu.vector_load %arg8[%get3A_627, %get3A_628] {strides = array<i32>} : memref<30x128xf32, #tpu.memory_space<vmem>>, vector<16xf32>,
        %mul3A_630 = arith.constant 16 : i32
        %mul3A_631 = arith.muli %scan3A_425, %mul3A_630 : i32
        %get3A_632 = arith.constant 4 : i32
        %get3A_633 = arith.index_cast %get3A_632 : i32 to index
        %get3A_634 = arith.index_cast %mul3A_631 : i32 to index
        %get3A_635 = tpu.vector_load %arg8[%get3A_633, %get3A_634] {strides = array<i32>} : memref<30x128xf32, #tpu.memory_space<vmem>>, vector<16xf32>,
        %mul3A_636 = arith.constant 16 : i32
        %mul3A_637 = arith.muli %scan3A_425, %mul3A_636 : i32
        %get3A_638 = arith.constant 5 : i32
        %get3A_639 = arith.index_cast %get3A_638 : i32 to index
        %get3A_640 = arith.index_cast %mul3A_637 : i32 to index
        %get3A_641 = tpu.vector_load %arg8[%get3A_639, %get3A_640] {strides = array<i32>} : memref<30x128xf32, #tpu.memory_space<vmem>>, vector<16xf32>,
        %mul3A_642 = arith.constant 16 : i32
        %mul3A_643 = arith.muli %scan3A_425, %mul3A_642 : i32
        %get3A_644 = arith.constant 6 : i32
        %get3A_645 = arith.index_cast %get3A_644 : i32 to index
        %get3A_646 = arith.index_cast %mul3A_643 : i32 to index
        %get3A_647 = tpu.vector_load %arg8[%get3A_645, %get3A_646] {strides = array<i32>} : memref<30x128xf32, #tpu.memory_space<vmem>>, vector<16xf32>,
        %mul3A_648 = arith.constant 16 : i32
        %mul3A_649 = arith.muli %scan3A_425, %mul3A_648 : i32
        %get3A_650 = arith.constant 7 : i32
        %get3A_651 = arith.index_cast %get3A_650 : i32 to index
        %get3A_652 = arith.index_cast %mul3A_649 : i32 to index
        %get3A_653 = tpu.vector_load %arg8[%get3A_651, %get3A_652] {strides = array<i32>} : memref<30x128xf32, #tpu.memory_space<vmem>>, vector<16xf32>,
        %mul3A_654 = arith.constant 16 : i32
        %mul3A_655 = arith.muli %scan3A_425, %mul3A_654 : i32
        %get3A_656 = arith.constant 8 : i32
        %get3A_657 = arith.index_cast %get3A_656 : i32 to index
        %get3A_658 = arith.index_cast %mul3A_655 : i32 to index
        %get3A_659 = tpu.vector_load %arg8[%get3A_657, %get3A_658] {strides = array<i32>} : memref<30x128xf32, #tpu.memory_space<vmem>>, vector<16xf32>,
        %mul3A_660 = arith.constant 16 : i32
        %mul3A_661 = arith.muli %scan3A_425, %mul3A_660 : i32
        %get3A_662 = arith.constant 9 : i32
        %get3A_663 = arith.index_cast %get3A_662 : i32 to index
        %get3A_664 = arith.index_cast %mul3A_661 : i32 to index
        %get3A_665 = tpu.vector_load %arg8[%get3A_663, %get3A_664] {strides = array<i32>} : memref<30x128xf32, #tpu.memory_space<vmem>>, vector<16xf32>,
        %mul3A_666 = arith.constant 16 : i32
        %mul3A_667 = arith.muli %scan3A_425, %mul3A_666 : i32
        %get3A_668 = arith.constant 10 : i32
        %get3A_669 = arith.index_cast %get3A_668 : i32 to index
        %get3A_670 = arith.index_cast %mul3A_667 : i32 to index
        %get3A_671 = tpu.vector_load %arg8[%get3A_669, %get3A_670] {strides = array<i32>} : memref<30x128xf32, #tpu.memory_space<vmem>>, vector<16xf32>,
        %mul3A_672 = arith.constant 16 : i32
        %mul3A_673 = arith.muli %scan3A_425, %mul3A_672 : i32
        %get3A_674 = arith.constant 11 : i32
        %get3A_675 = arith.index_cast %get3A_674 : i32 to index
        %get3A_676 = arith.index_cast %mul3A_673 : i32 to index
        %get3A_677 = tpu.vector_load %arg8[%get3A_675, %get3A_676] {strides = array<i32>} : memref<30x128xf32, #tpu.memory_space<vmem>>, vector<16xf32>,
        %mul3A_678 = arith.constant 16 : i32
        %mul3A_679 = arith.muli %scan3A_425, %mul3A_678 : i32
        %get3A_680 = arith.constant 12 : i32
        %get3A_681 = arith.index_cast %get3A_680 : i32 to index
        %get3A_682 = arith.index_cast %mul3A_679 : i32 to index
        %get3A_683 = tpu.vector_load %arg8[%get3A_681, %get3A_682] {strides = array<i32>} : memref<30x128xf32, #tpu.memory_space<vmem>>, vector<16xf32>,
        %mul3A_684 = arith.constant 16 : i32
        %mul3A_685 = arith.muli %scan3A_425, %mul3A_684 : i32
        %get3A_686 = arith.constant 13 : i32
        %get3A_687 = arith.index_cast %get3A_686 : i32 to index
        %get3A_688 = arith.index_cast %mul3A_685 : i32 to index
        %get3A_689 = tpu.vector_load %arg8[%get3A_687, %get3A_688] {strides = array<i32>} : memref<30x128xf32, #tpu.memory_space<vmem>>, vector<16xf32>,
        %mul3A_690 = arith.constant 16 : i32
        %mul3A_691 = arith.muli %scan3A_425, %mul3A_690 : i32
        %get3A_692 = arith.constant 14 : i32
        %get3A_693 = arith.index_cast %get3A_692 : i32 to index
        %get3A_694 = arith.index_cast %mul3A_691 : i32 to index
        %get3A_695 = tpu.vector_load %arg8[%get3A_693, %get3A_694] {strides = array<i32>} : memref<30x128xf32, #tpu.memory_space<vmem>>, vector<16xf32>,
        %mul3A_696 = arith.constant 16 : i32
        %mul3A_697 = arith.muli %scan3A_425, %mul3A_696 : i32
        %get3A_698 = arith.constant 15 : i32
        %get3A_699 = arith.index_cast %get3A_698 : i32 to index
        %get3A_700 = arith.index_cast %mul3A_697 : i32 to index
        %get3A_701 = tpu.vector_load %arg8[%get3A_699, %get3A_700] {strides = array<i32>} : memref<30x128xf32, #tpu.memory_space<vmem>>, vector<16xf32>,
        %mul3A_702 = arith.constant 16 : i32
        %mul3A_703 = arith.muli %scan3A_425, %mul3A_702 : i32
        %get3A_704 = arith.constant 16 : i32
        %get3A_705 = arith.index_cast %get3A_704 : i32 to index
        %get3A_706 = arith.index_cast %mul3A_703 : i32 to index
        %get3A_707 = tpu.vector_load %arg8[%get3A_705, %get3A_706] {strides = array<i32>} : memref<30x128xf32, #tpu.memory_space<vmem>>, vector<16xf32>,
        %mul3A_708 = arith.constant 16 : i32
        %mul3A_709 = arith.muli %scan3A_425, %mul3A_708 : i32
        %get3A_710 = arith.constant 17 : i32
        %get3A_711 = arith.index_cast %get3A_710 : i32 to index
        %get3A_712 = arith.index_cast %mul3A_709 : i32 to index
        %get3A_713 = tpu.vector_load %arg8[%get3A_711, %get3A_712] {strides = array<i32>} : memref<30x128xf32, #tpu.memory_space<vmem>>, vector<16xf32>,
        %mul3A_714 = arith.constant 16 : i32
        %mul3A_715 = arith.muli %scan3A_425, %mul3A_714 : i32
        %get3A_716 = arith.constant 18 : i32
        %get3A_717 = arith.index_cast %get3A_716 : i32 to index
        %get3A_718 = arith.index_cast %mul3A_715 : i32 to index
        %get3A_719 = tpu.vector_load %arg8[%get3A_717, %get3A_718] {strides = array<i32>} : memref<30x128xf32, #tpu.memory_space<vmem>>, vector<16xf32>,
        %mul3A_720 = arith.constant 16 : i32
        %mul3A_721 = arith.muli %scan3A_425, %mul3A_720 : i32
        %get3A_722 = arith.constant 19 : i32
        %get3A_723 = arith.index_cast %get3A_722 : i32 to index
        %get3A_724 = arith.index_cast %mul3A_721 : i32 to index
        %get3A_725 = tpu.vector_load %arg8[%get3A_723, %get3A_724] {strides = array<i32>} : memref<30x128xf32, #tpu.memory_space<vmem>>, vector<16xf32>,
        %mul3A_726 = arith.constant 16 : i32
        %mul3A_727 = arith.muli %scan3A_425, %mul3A_726 : i32
        %get3A_728 = arith.constant 20 : i32
        %get3A_729 = arith.index_cast %get3A_728 : i32 to index
        %get3A_730 = arith.index_cast %mul3A_727 : i32 to index
        %get3A_731 = tpu.vector_load %arg8[%get3A_729, %get3A_730] {strides = array<i32>} : memref<30x128xf32, #tpu.memory_space<vmem>>, vector<16xf32>,
        %mul3A_732 = arith.constant 16 : i32
        %mul3A_733 = arith.muli %scan3A_425, %mul3A_732 : i32
        %get3A_734 = arith.constant 21 : i32
        %get3A_735 = arith.index_cast %get3A_734 : i32 to index
        %get3A_736 = arith.index_cast %mul3A_733 : i32 to index
        %get3A_737 = tpu.vector_load %arg8[%get3A_735, %get3A_736] {strides = array<i32>} : memref<30x128xf32, #tpu.memory_space<vmem>>, vector<16xf32>,
        %mul3A_738 = arith.constant 16 : i32
        %mul3A_739 = arith.muli %scan3A_425, %mul3A_738 : i32
        %get3A_740 = arith.constant 22 : i32
        %get3A_741 = arith.index_cast %get3A_740 : i32 to index
        %get3A_742 = arith.index_cast %mul3A_739 : i32 to index
        %get3A_743 = tpu.vector_load %arg8[%get3A_741, %get3A_742] {strides = array<i32>} : memref<30x128xf32, #tpu.memory_space<vmem>>, vector<16xf32>,
        %mul3A_744 = arith.constant 16 : i32
        %mul3A_745 = arith.muli %scan3A_425, %mul3A_744 : i32
        %get3A_746 = arith.constant 23 : i32
        %get3A_747 = arith.index_cast %get3A_746 : i32 to index
        %get3A_748 = arith.index_cast %mul3A_745 : i32 to index
        %get3A_749 = tpu.vector_load %arg8[%get3A_747, %get3A_748] {strides = array<i32>} : memref<30x128xf32, #tpu.memory_space<vmem>>, vector<16xf32>,
        %mul3A_750 = arith.constant 16 : i32
        %mul3A_751 = arith.muli %scan3A_425, %mul3A_750 : i32
        %get3A_752 = arith.constant 24 : i32
        %get3A_753 = arith.index_cast %get3A_752 : i32 to index
        %get3A_754 = arith.index_cast %mul3A_751 : i32 to index
        %get3A_755 = tpu.vector_load %arg8[%get3A_753, %get3A_754] {strides = array<i32>} : memref<30x128xf32, #tpu.memory_space<vmem>>, vector<16xf32>,
        %mul3A_756 = arith.constant 16 : i32
        %mul3A_757 = arith.muli %scan3A_425, %mul3A_756 : i32
        %get3A_758 = arith.constant 25 : i32
        %get3A_759 = arith.index_cast %get3A_758 : i32 to index
        %get3A_760 = arith.index_cast %mul3A_757 : i32 to index
        %get3A_761 = tpu.vector_load %arg8[%get3A_759, %get3A_760] {strides = array<i32>} : memref<30x128xf32, #tpu.memory_space<vmem>>, vector<16xf32>,
        %mul3A_762 = arith.constant 16 : i32
        %mul3A_763 = arith.muli %scan3A_425, %mul3A_762 : i32
        %get3A_764 = arith.constant 26 : i32
        %get3A_765 = arith.index_cast %get3A_764 : i32 to index
        %get3A_766 = arith.index_cast %mul3A_763 : i32 to index
        %get3A_767 = tpu.vector_load %arg8[%get3A_765, %get3A_766] {strides = array<i32>} : memref<30x128xf32, #tpu.memory_space<vmem>>, vector<16xf32>,
        %mul3A_768 = arith.constant 16 : i32
        %mul3A_769 = arith.muli %scan3A_425, %mul3A_768 : i32
        %get3A_770 = arith.constant 27 : i32
        %get3A_771 = arith.index_cast %get3A_770 : i32 to index
        %get3A_772 = arith.index_cast %mul3A_769 : i32 to index
        %get3A_773 = tpu.vector_load %arg8[%get3A_771, %get3A_772] {strides = array<i32>} : memref<30x128xf32, #tpu.memory_space<vmem>>, vector<16xf32>,
        %mul3A_774 = arith.constant 16 : i32
        %mul3A_775 = arith.muli %scan3A_425, %mul3A_774 : i32
        %get3A_776 = arith.constant 28 : i32
        %get3A_777 = arith.index_cast %get3A_776 : i32 to index
        %get3A_778 = arith.index_cast %mul3A_775 : i32 to index
        %get3A_779 = tpu.vector_load %arg8[%get3A_777, %get3A_778] {strides = array<i32>} : memref<30x128xf32, #tpu.memory_space<vmem>>, vector<16xf32>,
        %mul3A_780 = arith.constant 16 : i32
        %mul3A_781 = arith.muli %scan3A_425, %mul3A_780 : i32
        %get3A_782 = arith.constant 29 : i32
        %get3A_783 = arith.index_cast %get3A_782 : i32 to index
        %get3A_784 = arith.index_cast %mul3A_781 : i32 to index
        %get3A_785 = tpu.vector_load %arg8[%get3A_783, %get3A_784] {strides = array<i32>} : memref<30x128xf32, #tpu.memory_space<vmem>>, vector<16xf32>,
        %sub3A_786 = arith.constant 1.000000e+00 : f32
        %sub3A_787 = vector.broadcast %sub3A_786 : f32 to vector<16xf32>
        %sub3A_788 = arith.subf %sub3A_787, %get3A_635 : vector<16xf32>
        %sub3A_789 = arith.subf %get3A_455, %get3A_635 : vector<16xf32>
        %mul3A_790 = arith.mulf %sub3A_789, %sub3A_789 : vector<16xf32>
        %sub3A_791 = arith.subf %get3A_485, %get3A_635 : vector<16xf32>
        %mul3A_792 = arith.mulf %sub3A_791, %sub3A_791 : vector<16xf32>
        %add3A_793 = arith.addf %mul3A_790, %mul3A_792 : vector<16xf32>
        %mul3A_794 = arith.mulf %sub3A_788, %add3A_793 : vector<16xf32>
        %mul3A_795 = arith.constant 5.000000e-01 : f32
        %mul3A_796 = vector.broadcast %mul3A_795 : f32 to vector<16xf32>
        %mul3A_797 = arith.mulf %mul3A_796, %get3A_623 : vector<16xf32>
        %sub3A_798 = arith.subf %get3A_611, %mul3A_797 : vector<16xf32>
        %mul3A_799 = arith.constant 5.000000e-01 : f32
        %mul3A_800 = vector.broadcast %mul3A_799 : f32 to vector<16xf32>
        %mul3A_801 = arith.mulf %mul3A_800, %get3A_623 : vector<16xf32>
        %add3A_802 = arith.addf %get3A_611, %mul3A_801 : vector<16xf32>
        %mul3A_803 = arith.constant 5.000000e-01 : f32
        %mul3A_804 = vector.broadcast %mul3A_803 : f32 to vector<16xf32>
        %mul3A_805 = arith.mulf %mul3A_804, %get3A_629 : vector<16xf32>
        %sub3A_806 = arith.subf %get3A_617, %mul3A_805 : vector<16xf32>
        %mul3A_807 = arith.constant 5.000000e-01 : f32
        %mul3A_808 = vector.broadcast %mul3A_807 : f32 to vector<16xf32>
        %mul3A_809 = arith.mulf %mul3A_808, %get3A_629 : vector<16xf32>
        %add3A_810 = arith.addf %get3A_617, %mul3A_809 : vector<16xf32>
        %mul3A_811 = arith.mulf %get3A_623, %get3A_629 : vector<16xf32>
        %mul3A_812 = arith.constant 5.000000e-01 : f32
        %mul3A_813 = vector.broadcast %mul3A_812 : f32 to vector<16xf32>
        %mul3A_814 = arith.mulf %mul3A_813, %get3A_443 : vector<16xf32>
        %mul3A_815 = arith.constant 5.000000e-01 : f32
        %mul3A_816 = vector.broadcast %mul3A_815 : f32 to vector<16xf32>
        %mul3A_817 = arith.mulf %mul3A_816, %get3A_449 : vector<16xf32>
        %add3A_818 = arith.addf %get3A_431, %mul3A_814 : vector<16xf32>
        %min3A_819 = arith.minimumf %add3A_818, %add3A_802 : vector<16xf32>
        %sub3A_820 = arith.subf %get3A_431, %mul3A_814 : vector<16xf32>
        %max3A = arith.maximumf %sub3A_820, %sub3A_798 : vector<16xf32>
        %sub3A_821 = arith.subf %min3A_819, %max3A : vector<16xf32>
        %add3A_822 = arith.addf %get3A_437, %mul3A_817 : vector<16xf32>
        %min3A_823 = arith.minimumf %add3A_822, %add3A_810 : vector<16xf32>
        %sub3A_824 = arith.subf %get3A_437, %mul3A_817 : vector<16xf32>
        %max3A_825 = arith.maximumf %sub3A_824, %sub3A_806 : vector<16xf32>
        %sub3A_826 = arith.subf %min3A_823, %max3A_825 : vector<16xf32>
        %lt3A_827 = arith.constant 0.000000e+00 : f32
        %lt3A_828 = vector.broadcast %lt3A_827 : f32 to vector<16xf32>
        %lt3A_829 = arith.cmpf olt, %sub3A_821, %lt3A_828 : vector<16xf32>
        %lt3A_830 = arith.constant 0.000000e+00 : f32
        %lt3A_831 = vector.broadcast %lt3A_830 : f32 to vector<16xf32>
        %lt3A_832 = arith.cmpf olt, %sub3A_826, %lt3A_831 : vector<16xf32>
        %and3A_833 = arith.andi %lt3A_829, %lt3A_832 : vector<16xi1>
        %jit3A_834 = arith.constant 1.000000e+00 : f32
        %jit3A_835 = arith.constant 0.000000e+00 : f32
        %broadcast_in_dim3A_836 = vector.broadcast %jit3A_834 : f32 to vector<16xf32>
        %broadcast_in_dim3A_837 = vector.broadcast %jit3A_835 : f32 to vector<16xf32>
        %select_n3A_838 = arith.select %and3A_833, %broadcast_in_dim3A_836, %broadcast_in_dim3A_837 : vector<16xi1>, vector<16xf32>
        %mul3A_839 = arith.mulf %get3A_443, %get3A_449 : vector<16xf32>
        %add3A_840 = arith.addf %mul3A_839, %mul3A_811 : vector<16xf32>
        %sub3A_841 = arith.subf %add3A_840, %select_n3A_838 : vector<16xf32>
        %mul3A_842 = arith.constant 5.000000e-01 : f32
        %mul3A_843 = vector.broadcast %mul3A_842 : f32 to vector<16xf32>
        %mul3A_844 = arith.mulf %mul3A_843, %get3A_473 : vector<16xf32>
        %mul3A_845 = arith.constant 5.000000e-01 : f32
        %mul3A_846 = vector.broadcast %mul3A_845 : f32 to vector<16xf32>
        %mul3A_847 = arith.mulf %mul3A_846, %get3A_479 : vector<16xf32>
        %add3A_848 = arith.addf %get3A_461, %mul3A_844 : vector<16xf32>
        %min3A_849 = arith.minimumf %add3A_848, %add3A_802 : vector<16xf32>
        %sub3A_850 = arith.subf %get3A_461, %mul3A_844 : vector<16xf32>
        %max3A_851 = arith.maximumf %sub3A_850, %sub3A_798 : vector<16xf32>
        %sub3A_852 = arith.subf %min3A_849, %max3A_851 : vector<16xf32>
        %add3A_853 = arith.addf %get3A_467, %mul3A_847 : vector<16xf32>
        %min3A_854 = arith.minimumf %add3A_853, %add3A_810 : vector<16xf32>
        %sub3A_855 = arith.subf %get3A_467, %mul3A_847 : vector<16xf32>
        %max3A_856 = arith.maximumf %sub3A_855, %sub3A_806 : vector<16xf32>
        %sub3A_857 = arith.subf %min3A_854, %max3A_856 : vector<16xf32>
        %lt3A_858 = arith.constant 0.000000e+00 : f32
        %lt3A_859 = vector.broadcast %lt3A_858 : f32 to vector<16xf32>
        %lt3A_860 = arith.cmpf olt, %sub3A_852, %lt3A_859 : vector<16xf32>
        %lt3A_861 = arith.constant 0.000000e+00 : f32
        %lt3A_862 = vector.broadcast %lt3A_861 : f32 to vector<16xf32>
        %lt3A_863 = arith.cmpf olt, %sub3A_857, %lt3A_862 : vector<16xf32>
        %and3A_864 = arith.andi %lt3A_860, %lt3A_863 : vector<16xi1>
        %jit3A_865 = arith.constant 1.000000e+00 : f32
        %jit3A_866 = arith.constant 0.000000e+00 : f32
        %broadcast_in_dim3A_867 = vector.broadcast %jit3A_865 : f32 to vector<16xf32>
        %broadcast_in_dim3A_868 = vector.broadcast %jit3A_866 : f32 to vector<16xf32>
        %select_n3A_869 = arith.select %and3A_864, %broadcast_in_dim3A_867, %broadcast_in_dim3A_868 : vector<16xi1>, vector<16xf32>
        %mul3A_870 = arith.mulf %get3A_473, %get3A_479 : vector<16xf32>
        %add3A_871 = arith.addf %mul3A_870, %mul3A_811 : vector<16xf32>
        %sub3A_872 = arith.subf %add3A_871, %select_n3A_869 : vector<16xf32>
        %mul3A_873 = arith.mulf %select_n3A_869, %sub3A_841 : vector<16xf32>
        %mul3A_874 = arith.mulf %select_n3A_838, %sub3A_872 : vector<16xf32>
        %sub3A_875 = arith.subf %mul3A_873, %mul3A_874 : vector<16xf32>
        %mul3A_876 = arith.mulf %sub3A_841, %sub3A_872 : vector<16xf32>
        %mul3A_877 = arith.mulf %sub3A_875, %mul3A_876 : vector<16xf32>
        %gt3A = arith.constant 0.000000e+00 : f32
        %gt3A_878 = vector.broadcast %gt3A : f32 to vector<16xf32>
        %gt3A_879 = arith.cmpf ogt, %mul3A_877, %gt3A_878 : vector<16xf32>
        %select_n3A_880 = arith.select %gt3A_879, %mul3A_792, %mul3A_790 : vector<16xi1>, vector<16xf32>
        %mul3A_881 = arith.mulf %get3A_635, %select_n3A_880 : vector<16xf32>
        %sub3A_882 = arith.subf %get3A_461, %get3A_641 : vector<16xf32>
        %sub3A_883 = arith.subf %get3A_431, %get3A_611 : vector<16xf32>
        %select_n3A_884 = arith.select %gt3A_879, %sub3A_882, %sub3A_883 : vector<16xi1>, vector<16xf32>
        %sub3A_885 = arith.subf %get3A_467, %get3A_647 : vector<16xf32>
        %sub3A_886 = arith.subf %get3A_437, %get3A_617 : vector<16xf32>
        %select_n3A_887 = arith.select %gt3A_879, %sub3A_885, %sub3A_886 : vector<16xi1>, vector<16xf32>
        %mul3A_888 = arith.mulf %select_n3A_884, %select_n3A_884 : vector<16xf32>
        %mul3A_889 = arith.mulf %select_n3A_887, %select_n3A_887 : vector<16xf32>
        %add3A_890 = arith.addf %mul3A_888, %mul3A_889 : vector<16xf32>
        %select_n3A_891 = arith.select %gt3A_879, %get3A_473, %get3A_443 : vector<16xi1>, vector<16xf32>
        %select_n3A_892 = arith.select %gt3A_879, %get3A_653, %get3A_623 : vector<16xi1>, vector<16xf32>
        %select_n3A_893 = arith.select %gt3A_879, %get3A_479, %get3A_449 : vector<16xi1>, vector<16xf32>
        %select_n3A_894 = arith.select %gt3A_879, %get3A_659, %get3A_629 : vector<16xi1>, vector<16xf32>
        %add3A_895 = arith.addf %select_n3A_891, %select_n3A_892 : vector<16xf32>
        %add3A_896 = arith.addf %add3A_895, %select_n3A_893 : vector<16xf32>
        %add3A_897 = arith.addf %add3A_896, %select_n3A_894 : vector<16xf32>
        %mul3A_898 = arith.mulf %select_n3A_891, %select_n3A_892 : vector<16xf32>
        %bitcast_convert_type3A = tpu.bitcast %mul3A_898 : vector<16xf32> -> vector<16xi32>
        %shift_right_logical3A = arith.constant 1 : i32
        %shift_right_logical3A_899 = vector.broadcast %shift_right_logical3A : i32 to vector<16xi32>
        %shift_right_logical3A_900 = arith.shrui %bitcast_convert_type3A, %shift_right_logical3A_899 : vector<16xi32>
        %sub3A_901 = arith.constant 1597463007 : i32
        %sub3A_902 = vector.broadcast %sub3A_901 : i32 to vector<16xi32>
        %sub3A_903 = arith.subi %sub3A_902, %shift_right_logical3A_900 : vector<16xi32>
        %bitcast_convert_type3A_904 = tpu.bitcast %sub3A_903 : vector<16xi32> -> vector<16xf32>
        %mul3A_905 = arith.mulf %mul3A_898, %bitcast_convert_type3A_904 : vector<16xf32>
        %mul3A_906 = arith.mulf %mul3A_905, %bitcast_convert_type3A_904 : vector<16xf32>
        %mul3A_907 = arith.constant 1.250000e-01 : f32
        %mul3A_908 = vector.broadcast %mul3A_907 : f32 to vector<16xf32>
        %mul3A_909 = arith.mulf %mul3A_908, %bitcast_convert_type3A_904 : vector<16xf32>
        %mul3A_910 = arith.constant 3.000000e+00 : f32
        %mul3A_911 = vector.broadcast %mul3A_910 : f32 to vector<16xf32>
        %mul3A_912 = arith.mulf %mul3A_911, %mul3A_906 : vector<16xf32>
        %sub3A_913 = arith.constant 1.000000e+01 : f32
        %sub3A_914 = vector.broadcast %sub3A_913 : f32 to vector<16xf32>
        %sub3A_915 = arith.subf %sub3A_914, %mul3A_912 : vector<16xf32>
        %mul3A_916 = arith.mulf %mul3A_906, %sub3A_915 : vector<16xf32>
        %sub3A_917 = arith.constant 1.500000e+01 : f32
        %sub3A_918 = vector.broadcast %sub3A_917 : f32 to vector<16xf32>
        %sub3A_919 = arith.subf %sub3A_918, %mul3A_916 : vector<16xf32>
        %mul3A_920 = arith.mulf %mul3A_909, %sub3A_919 : vector<16xf32>
        %mul3A_921 = arith.mulf %mul3A_898, %mul3A_920 : vector<16xf32>
        %mul3A_922 = arith.mulf %select_n3A_893, %select_n3A_894 : vector<16xf32>
        %bitcast_convert_type3A_923 = tpu.bitcast %mul3A_922 : vector<16xf32> -> vector<16xi32>
        %shift_right_logical3A_924 = arith.constant 1 : i32
        %shift_right_logical3A_925 = vector.broadcast %shift_right_logical3A_924 : i32 to vector<16xi32>
        %shift_right_logical3A_926 = arith.shrui %bitcast_convert_type3A_923, %shift_right_logical3A_925 : vector<16xi32>
        %sub3A_927 = arith.constant 1597463007 : i32
        %sub3A_928 = vector.broadcast %sub3A_927 : i32 to vector<16xi32>
        %sub3A_929 = arith.subi %sub3A_928, %shift_right_logical3A_926 : vector<16xi32>
        %bitcast_convert_type3A_930 = tpu.bitcast %sub3A_929 : vector<16xi32> -> vector<16xf32>
        %mul3A_931 = arith.mulf %mul3A_922, %bitcast_convert_type3A_930 : vector<16xf32>
        %mul3A_932 = arith.mulf %mul3A_931, %bitcast_convert_type3A_930 : vector<16xf32>
        %mul3A_933 = arith.constant 1.250000e-01 : f32
        %mul3A_934 = vector.broadcast %mul3A_933 : f32 to vector<16xf32>
        %mul3A_935 = arith.mulf %mul3A_934, %bitcast_convert_type3A_930 : vector<16xf32>
        %mul3A_936 = arith.constant 3.000000e+00 : f32
        %mul3A_937 = vector.broadcast %mul3A_936 : f32 to vector<16xf32>
        %mul3A_938 = arith.mulf %mul3A_937, %mul3A_932 : vector<16xf32>
        %sub3A_939 = arith.constant 1.000000e+01 : f32
        %sub3A_940 = vector.broadcast %sub3A_939 : f32 to vector<16xf32>
        %sub3A_941 = arith.subf %sub3A_940, %mul3A_938 : vector<16xf32>
        %mul3A_942 = arith.mulf %mul3A_932, %sub3A_941 : vector<16xf32>
        %sub3A_943 = arith.constant 1.500000e+01 : f32
        %sub3A_944 = vector.broadcast %sub3A_943 : f32 to vector<16xf32>
        %sub3A_945 = arith.subf %sub3A_944, %mul3A_942 : vector<16xf32>
        %mul3A_946 = arith.mulf %mul3A_935, %sub3A_945 : vector<16xf32>
        %mul3A_947 = arith.mulf %mul3A_922, %mul3A_946 : vector<16xf32>
        %add3A_948 = arith.addf %mul3A_921, %mul3A_947 : vector<16xf32>
        %mul3A_949 = arith.constant 2.000000e+00 : f32
        %mul3A_950 = vector.broadcast %mul3A_949 : f32 to vector<16xf32>
        %mul3A_951 = arith.mulf %mul3A_950, %add3A_948 : vector<16xf32>
        %sub3A_952 = arith.subf %add3A_897, %mul3A_951 : vector<16xf32>
        %sub3A_953 = arith.subf %get3A_491, %get3A_671 : vector<16xf32>
        %mul3A_954 = arith.mulf %sub3A_953, %sub3A_953 : vector<16xf32>
        %sub3A_955 = arith.subf %get3A_497, %get3A_677 : vector<16xf32>
        %mul3A_956 = arith.mulf %sub3A_955, %sub3A_955 : vector<16xf32>
        %sub3A_957 = arith.subf %get3A_503, %get3A_683 : vector<16xf32>
        %mul3A_958 = arith.mulf %sub3A_957, %sub3A_957 : vector<16xf32>
        %sub3A_959 = arith.subf %get3A_509, %get3A_689 : vector<16xf32>
        %mul3A_960 = arith.mulf %sub3A_959, %sub3A_959 : vector<16xf32>
        %sub3A_961 = arith.subf %get3A_515, %get3A_695 : vector<16xf32>
        %mul3A_962 = arith.mulf %sub3A_961, %sub3A_961 : vector<16xf32>
        %sub3A_963 = arith.subf %get3A_521, %get3A_701 : vector<16xf32>
        %mul3A_964 = arith.mulf %sub3A_963, %sub3A_963 : vector<16xf32>
        %sub3A_965 = arith.subf %get3A_527, %get3A_707 : vector<16xf32>
        %mul3A_966 = arith.mulf %sub3A_965, %sub3A_965 : vector<16xf32>
        %sub3A_967 = arith.subf %get3A_533, %get3A_713 : vector<16xf32>
        %mul3A_968 = arith.mulf %sub3A_967, %sub3A_967 : vector<16xf32>
        %sub3A_969 = arith.subf %get3A_539, %get3A_719 : vector<16xf32>
        %mul3A_970 = arith.mulf %sub3A_969, %sub3A_969 : vector<16xf32>
        %sub3A_971 = arith.subf %get3A_545, %get3A_725 : vector<16xf32>
        %mul3A_972 = arith.mulf %sub3A_971, %sub3A_971 : vector<16xf32>
        %sub3A_973 = arith.subf %get3A_551, %get3A_731 : vector<16xf32>
        %mul3A_974 = arith.mulf %sub3A_973, %sub3A_973 : vector<16xf32>
        %sub3A_975 = arith.subf %get3A_557, %get3A_737 : vector<16xf32>
        %mul3A_976 = arith.mulf %sub3A_975, %sub3A_975 : vector<16xf32>
        %sub3A_977 = arith.subf %get3A_563, %get3A_743 : vector<16xf32>
        %mul3A_978 = arith.mulf %sub3A_977, %sub3A_977 : vector<16xf32>
        %sub3A_979 = arith.subf %get3A_569, %get3A_749 : vector<16xf32>
        %mul3A_980 = arith.mulf %sub3A_979, %sub3A_979 : vector<16xf32>
        %sub3A_981 = arith.subf %get3A_575, %get3A_755 : vector<16xf32>
        %mul3A_982 = arith.mulf %sub3A_981, %sub3A_981 : vector<16xf32>
        %sub3A_983 = arith.subf %get3A_581, %get3A_761 : vector<16xf32>
        %mul3A_984 = arith.mulf %sub3A_983, %sub3A_983 : vector<16xf32>
        %sub3A_985 = arith.subf %get3A_587, %get3A_767 : vector<16xf32>
        %mul3A_986 = arith.mulf %sub3A_985, %sub3A_985 : vector<16xf32>
        %sub3A_987 = arith.subf %get3A_593, %get3A_773 : vector<16xf32>
        %mul3A_988 = arith.mulf %sub3A_987, %sub3A_987 : vector<16xf32>
        %sub3A_989 = arith.subf %get3A_599, %get3A_779 : vector<16xf32>
        %mul3A_990 = arith.mulf %sub3A_989, %sub3A_989 : vector<16xf32>
        %sub3A_991 = arith.subf %get3A_605, %get3A_785 : vector<16xf32>
        %mul3A_992 = arith.mulf %sub3A_991, %sub3A_991 : vector<16xf32>
        %add3A_993 = arith.addf %mul3A_954, %mul3A_956 : vector<16xf32>
        %add3A_994 = arith.addf %mul3A_958, %mul3A_960 : vector<16xf32>
        %add3A_995 = arith.addf %mul3A_962, %mul3A_964 : vector<16xf32>
        %add3A_996 = arith.addf %mul3A_966, %mul3A_968 : vector<16xf32>
        %add3A_997 = arith.addf %mul3A_970, %mul3A_972 : vector<16xf32>
        %add3A_998 = arith.addf %mul3A_974, %mul3A_976 : vector<16xf32>
        %add3A_999 = arith.addf %mul3A_978, %mul3A_980 : vector<16xf32>
        %add3A_1000 = arith.addf %mul3A_982, %mul3A_984 : vector<16xf32>
        %add3A_1001 = arith.addf %mul3A_986, %mul3A_988 : vector<16xf32>
        %add3A_1002 = arith.addf %mul3A_990, %mul3A_992 : vector<16xf32>
        %add3A_1003 = arith.addf %add3A_993, %add3A_994 : vector<16xf32>
        %add3A_1004 = arith.addf %add3A_995, %add3A_996 : vector<16xf32>
        %add3A_1005 = arith.addf %add3A_997, %add3A_998 : vector<16xf32>
        %add3A_1006 = arith.addf %add3A_999, %add3A_1000 : vector<16xf32>
        %add3A_1007 = arith.addf %add3A_1001, %add3A_1002 : vector<16xf32>
        %add3A_1008 = arith.addf %add3A_1003, %add3A_1004 : vector<16xf32>
        %add3A_1009 = arith.addf %add3A_1005, %add3A_1006 : vector<16xf32>
        %add3A_1010 = arith.addf %add3A_1008, %add3A_1009 : vector<16xf32>
        %add3A_1011 = arith.addf %add3A_1010, %add3A_1007 : vector<16xf32>
        %add3A_1012 = arith.addf %add3A_890, %sub3A_952 : vector<16xf32>
        %mul3A_1013 = arith.constant 5.000000e+00 : f32
        %mul3A_1014 = vector.broadcast %mul3A_1013 : f32 to vector<16xf32>
        %mul3A_1015 = arith.mulf %mul3A_1014, %add3A_1012 : vector<16xf32>
        %add3A_1016 = arith.addf %mul3A_1015, %add3A_1011 : vector<16xf32>
        %mul3A_1017 = arith.mulf %add3A_1016, %get3A_635 : vector<16xf32>
        %mul3A_1018 = arith.constant 5.000000e-01 : f32
        %mul3A_1019 = vector.broadcast %mul3A_1018 : f32 to vector<16xf32>
        %mul3A_1020 = arith.mulf %mul3A_1019, %mul3A_794 : vector<16xf32>
        %add3A_1021 = arith.addf %mul3A_881, %mul3A_1020 : vector<16xf32>
        %add3A_1022 = arith.addf %mul3A_1017, %add3A_1021 : vector<16xf32>
        %add3A_1023 = arith.addf %scan3A_426, %add3A_1022 : vector<16xf32>
        scf.yield %add3A_1023 : vector<16xf32>
      }
      %scan3A_370 = arith.constant 8 : i32
      %jit3A_371 = arith.constant 0.000000e+00 : f32
      %broadcast_in_dim3A_372 = vector.broadcast %jit3A_371 : f32 to vector<16xf32>
      %select_n3A_373 = arith.select %lt3A_362, %scan3A_369, %broadcast_in_dim3A_372 : vector<16xf32>
      %add3A_374 = arith.addf %add3A_262, %select_n3A_373 : vector<16xf32>
      %add3A_375 = arith.constant 64 : i32
      %add3A_376 = arith.addi %add3A_201, %add3A_375 : i32
      %min3A_377 = arith.constant 391 : i32
      %min3A_378 = arith.minsi %add3A_376, %min3A_377 : i32
      %shift_right_arithmetic3A_379 = arith.constant 3 : i32
      %shift_right_arithmetic3A_380 = arith.shrsi %min3A_378, %shift_right_arithmetic3A_379 : i32
      %and3A_381 = arith.constant 7 : i32
      %and3A_382 = arith.andi %min3A_378, %and3A_381 : i32
      %jit3A_383 = arith.constant 7 : i32
      %div3A_384 = arith.divsi %shift_right_arithmetic3A_380, %jit3A_383 : i32
      %sign3A_385 = arith.constant 0 : i32
      %sign3A_386 = arith.cmpi sgt, %shift_right_arithmetic3A_380, %sign3A_385 : i32
      %sign3A_387 = arith.extui %sign3A_386 : i1 to i32
      %sign3A_388 = arith.constant 0 : i32
      %sign3A_389 = arith.cmpi slt, %shift_right_arithmetic3A_380, %sign3A_388 : i32
      %sign3A_390 = arith.extui %sign3A_389 : i1 to i32
      %sign3A_391 = arith.subi %sign3A_387, %sign3A_390 : i32
      %sign3A_392 = arith.constant 0 : i32
      %sign3A_393 = arith.cmpi sgt, %jit3A_383, %sign3A_392 : i32
      %sign3A_394 = arith.extui %sign3A_393 : i1 to i32
      %sign3A_395 = arith.constant 0 : i32
      %sign3A_396 = arith.cmpi slt, %jit3A_383, %sign3A_395 : i32
      %sign3A_397 = arith.extui %sign3A_396 : i1 to i32
      %sign3A_398 = arith.subi %sign3A_394, %sign3A_397 : i32
      %ne3A_399 = arith.cmpi ne, %sign3A_391, %sign3A_398 : i32
      %rem3A_400 = arith.remsi %shift_right_arithmetic3A_380, %jit3A_383 : i32
      %ne3A_401 = arith.constant 0 : i32
      %ne3A_402 = arith.cmpi ne, %rem3A_400, %ne3A_401 : i32
      %and3A_403 = arith.andi %ne3A_399, %ne3A_402 : i1
      %sub3A_404 = arith.constant 1 : i32
      %sub3A_405 = arith.subi %div3A_384, %sub3A_404 : i32
      %select_n3A_406 = arith.select %and3A_403, %sub3A_405, %div3A_384 : i32
      %mul3A_407 = arith.constant 7 : i32
      %mul3A_408 = arith.muli %select_n3A_406, %mul3A_407 : i32
      %sub3A_409 = arith.subi %shift_right_arithmetic3A_380, %mul3A_408 : i32
      %mul3A_410 = arith.constant 128 : i32
      %mul3A_411 = arith.muli %and3A_382, %mul3A_410 : i32
      %multiple_of3A_412 = tpu.assume_multiple %mul3A_411, 128 : i32
      %dma_start3A_413 = arith.constant 0 : i32
      %dma_start3A_414 = tpu.memref_slice %arg2[%select_n3A_406, %sub3A_409, %dma_start3A_413, %multiple_of3A_412] : memref<7x7x30x1024xf32, #tpu.memory_space<hbm>> -> memref<1x1x30x128xf32, #tpu.memory_space<hbm>>
      %dma_start3A_415 = tpu.memref_squeeze %dma_start3A_414 : memref<1x1x30x128xf32, #tpu.memory_space<hbm>> -> memref<30x128xf32, #tpu.memory_space<hbm>>
      %dma_start3A_416 = arith.constant 0 : i32
      %dma_start3A_417 = tpu.memref_slice %arg2[%select_n3A_406, %sub3A_409, %dma_start3A_416, %multiple_of3A_412] : memref<7x7x30x1024xf32, #tpu.memory_space<hbm>> -> memref<1x1x30x128xf32, #tpu.memory_space<hbm>>
      %dma_start3A_418 = tpu.memref_squeeze %dma_start3A_417 : memref<1x1x30x128xf32, #tpu.memory_space<hbm>> -> memref<30x128xf32, #tpu.memory_space<hbm>>
      tpu.enqueue_dma source(%dma_start3A_418 : memref<30x128xf32, #tpu.memory_space<hbm>>) target(%arg6 : memref<30x128xf32, #tpu.memory_space<vmem>>) target_semaphore(%arg11 : memref<!tpu.dma_semaphore, #tpu.memory_space<semaphore_mem>>)
      %dma_start3A_419 = arith.constant 0 : i32
      %dma_start3A_420 = tpu.memref_slice %arg3[%select_n3A_406, %sub3A_409, %dma_start3A_419, %multiple_of3A_412] : memref<7x7x30x1024xf32, #tpu.memory_space<hbm>> -> memref<1x1x30x128xf32, #tpu.memory_space<hbm>>
      %dma_start3A_421 = tpu.memref_squeeze %dma_start3A_420 : memref<1x1x30x128xf32, #tpu.memory_space<hbm>> -> memref<30x128xf32, #tpu.memory_space<hbm>>
      %dma_start3A_422 = arith.constant 0 : i32
      %dma_start3A_423 = tpu.memref_slice %arg3[%select_n3A_406, %sub3A_409, %dma_start3A_422, %multiple_of3A_412] : memref<7x7x30x1024xf32, #tpu.memory_space<hbm>> -> memref<1x1x30x128xf32, #tpu.memory_space<hbm>>
      %dma_start3A_424 = tpu.memref_squeeze %dma_start3A_423 : memref<1x1x30x128xf32, #tpu.memory_space<hbm>> -> memref<30x128xf32, #tpu.memory_space<hbm>>
      tpu.enqueue_dma source(%dma_start3A_424 : memref<30x128xf32, #tpu.memory_space<hbm>>) target(%arg8 : memref<30x128xf32, #tpu.memory_space<vmem>>) target_semaphore(%arg11 : memref<!tpu.dma_semaphore, #tpu.memory_space<semaphore_mem>>)
      scf.yield %add3A_374 : vector<16xf32>
    }
    %scan3A_92 = arith.constant 7 : i32
    %add3A_93 = arith.constant 448 : i32
    %add3A_94 = arith.addi %add3A, %add3A_93 : i32
    %min3A_95 = arith.constant 391 : i32
    %min3A_96 = arith.minsi %add3A_94, %min3A_95 : i32
    %shift_right_arithmetic3A_97 = arith.constant 3 : i32
    %shift_right_arithmetic3A_98 = arith.shrsi %min3A_96, %shift_right_arithmetic3A_97 : i32
    %and3A_99 = arith.constant 7 : i32
    %and3A_100 = arith.andi %min3A_96, %and3A_99 : i32
    %jit3A_101 = arith.constant 7 : i32
    %div3A_102 = arith.divsi %shift_right_arithmetic3A_98, %jit3A_101 : i32
    %sign3A_103 = arith.constant 0 : i32
    %sign3A_104 = arith.cmpi sgt, %shift_right_arithmetic3A_98, %sign3A_103 : i32
    %sign3A_105 = arith.extui %sign3A_104 : i1 to i32
    %sign3A_106 = arith.constant 0 : i32
    %sign3A_107 = arith.cmpi slt, %shift_right_arithmetic3A_98, %sign3A_106 : i32
    %sign3A_108 = arith.extui %sign3A_107 : i1 to i32
    %sign3A_109 = arith.subi %sign3A_105, %sign3A_108 : i32
    %sign3A_110 = arith.constant 0 : i32
    %sign3A_111 = arith.cmpi sgt, %jit3A_101, %sign3A_110 : i32
    %sign3A_112 = arith.extui %sign3A_111 : i1 to i32
    %sign3A_113 = arith.constant 0 : i32
    %sign3A_114 = arith.cmpi slt, %jit3A_101, %sign3A_113 : i32
    %sign3A_115 = arith.extui %sign3A_114 : i1 to i32
    %sign3A_116 = arith.subi %sign3A_112, %sign3A_115 : i32
    %ne3A_117 = arith.cmpi ne, %sign3A_109, %sign3A_116 : i32
    %rem3A_118 = arith.remsi %shift_right_arithmetic3A_98, %jit3A_101 : i32
    %ne3A_119 = arith.constant 0 : i32
    %ne3A_120 = arith.cmpi ne, %rem3A_118, %ne3A_119 : i32
    %and3A_121 = arith.andi %ne3A_117, %ne3A_120 : i1
    %sub3A_122 = arith.constant 1 : i32
    %sub3A_123 = arith.subi %div3A_102, %sub3A_122 : i32
    %select_n3A_124 = arith.select %and3A_121, %sub3A_123, %div3A_102 : i32
    %mul3A_125 = arith.constant 7 : i32
    %mul3A_126 = arith.muli %select_n3A_124, %mul3A_125 : i32
    %sub3A_127 = arith.subi %shift_right_arithmetic3A_98, %mul3A_126 : i32
    %mul3A_128 = arith.constant 128 : i32
    %mul3A_129 = arith.muli %and3A_100, %mul3A_128 : i32
    %multiple_of3A_130 = tpu.assume_multiple %mul3A_129, 128 : i32
    %dma_wait3A = arith.constant 0 : i32
    %dma_wait3A_131 = tpu.memref_slice %arg2[%select_n3A_124, %sub3A_127, %dma_wait3A, %multiple_of3A_130] : memref<7x7x30x1024xf32, #tpu.memory_space<hbm>> -> memref<1x1x30x128xf32, #tpu.memory_space<hbm>>
    %dma_wait3A_132 = tpu.memref_squeeze %dma_wait3A_131 : memref<1x1x30x128xf32, #tpu.memory_space<hbm>> -> memref<30x128xf32, #tpu.memory_space<hbm>>
    %dma_wait3A_133 = arith.constant 0 : i32
    %dma_wait3A_134 = tpu.memref_slice %arg2[%select_n3A_124, %sub3A_127, %dma_wait3A_133, %multiple_of3A_130] : memref<7x7x30x1024xf32, #tpu.memory_space<hbm>> -> memref<1x1x30x128xf32, #tpu.memory_space<hbm>>
    %dma_wait3A_135 = tpu.memref_squeeze %dma_wait3A_134 : memref<1x1x30x128xf32, #tpu.memory_space<hbm>> -> memref<30x128xf32, #tpu.memory_space<hbm>>
    tpu.wait_dma2 semaphore(%arg10 : memref<!tpu.dma_semaphore, #tpu.memory_space<semaphore_mem>>) src(%dma_wait3A_135 : memref<30x128xf32, #tpu.memory_space<hbm>>) dst(%arg5 : memref<30x128xf32, #tpu.memory_space<vmem>>)
    %dma_wait3A_136 = arith.constant 0 : i32
    %dma_wait3A_137 = tpu.memref_slice %arg3[%select_n3A_124, %sub3A_127, %dma_wait3A_136, %multiple_of3A_130] : memref<7x7x30x1024xf32, #tpu.memory_space<hbm>> -> memref<1x1x30x128xf32, #tpu.memory_space<hbm>>
    %dma_wait3A_138 = tpu.memref_squeeze %dma_wait3A_137 : memref<1x1x30x128xf32, #tpu.memory_space<hbm>> -> memref<30x128xf32, #tpu.memory_space<hbm>>
    %dma_wait3A_139 = arith.constant 0 : i32
    %dma_wait3A_140 = tpu.memref_slice %arg3[%select_n3A_124, %sub3A_127, %dma_wait3A_139, %multiple_of3A_130] : memref<7x7x30x1024xf32, #tpu.memory_space<hbm>> -> memref<1x1x30x128xf32, #tpu.memory_space<hbm>>
    %dma_wait3A_141 = tpu.memref_squeeze %dma_wait3A_140 : memref<1x1x30x128xf32, #tpu.memory_space<hbm>> -> memref<30x128xf32, #tpu.memory_space<hbm>>
    tpu.wait_dma2 semaphore(%arg10 : memref<!tpu.dma_semaphore, #tpu.memory_space<semaphore_mem>>) src(%dma_wait3A_141 : memref<30x128xf32, #tpu.memory_space<hbm>>) dst(%arg7 : memref<30x128xf32, #tpu.memory_space<vmem>>)
    %add3A_142 = arith.constant 448 : i32
    %add3A_143 = arith.addi %add3A, %add3A_142 : i32
    %add3A_144 = arith.constant 32 : i32
    %add3A_145 = arith.addi %add3A_143, %add3A_144 : i32
    %min3A_146 = arith.constant 391 : i32
    %min3A_147 = arith.minsi %add3A_145, %min3A_146 : i32
    %shift_right_arithmetic3A_148 = arith.constant 3 : i32
    %shift_right_arithmetic3A_149 = arith.shrsi %min3A_147, %shift_right_arithmetic3A_148 : i32
    %and3A_150 = arith.constant 7 : i32
    %and3A_151 = arith.andi %min3A_147, %and3A_150 : i32
    %jit3A_152 = arith.constant 7 : i32
    %div3A_153 = arith.divsi %shift_right_arithmetic3A_149, %jit3A_152 : i32
    %sign3A_154 = arith.constant 0 : i32
    %sign3A_155 = arith.cmpi sgt, %shift_right_arithmetic3A_149, %sign3A_154 : i32
    %sign3A_156 = arith.extui %sign3A_155 : i1 to i32
    %sign3A_157 = arith.constant 0 : i32
    %sign3A_158 = arith.cmpi slt, %shift_right_arithmetic3A_149, %sign3A_157 : i32
    %sign3A_159 = arith.extui %sign3A_158 : i1 to i32
    %sign3A_160 = arith.subi %sign3A_156, %sign3A_159 : i32
    %sign3A_161 = arith.constant 0 : i32
    %sign3A_162 = arith.cmpi sgt, %jit3A_152, %sign3A_161 : i32
    %sign3A_163 = arith.extui %sign3A_162 : i1 to i32
    %sign3A_164 = arith.constant 0 : i32
    %sign3A_165 = arith.cmpi slt, %jit3A_152, %sign3A_164 : i32
    %sign3A_166 = arith.extui %sign3A_165 : i1 to i32
    %sign3A_167 = arith.subi %sign3A_163, %sign3A_166 : i32
    %ne3A_168 = arith.cmpi ne, %sign3A_160, %sign3A_167 : i32
    %rem3A_169 = arith.remsi %shift_right_arithmetic3A_149, %jit3A_152 : i32
    %ne3A_170 = arith.constant 0 : i32
    %ne3A_171 = arith.cmpi ne, %rem3A_169, %ne3A_170 : i32
    %and3A_172 = arith.andi %ne3A_168, %ne3A_171 : i1
    %sub3A_173 = arith.constant 1 : i32
    %sub3A_174 = arith.subi %div3A_153, %sub3A_173 : i32
    %select_n3A_175 = arith.select %and3A_172, %sub3A_174, %div3A_153 : i32
    %mul3A_176 = arith.constant 7 : i32
    %mul3A_177 = arith.muli %select_n3A_175, %mul3A_176 : i32
    %sub3A_178 = arith.subi %shift_right_arithmetic3A_149, %mul3A_177 : i32
    %mul3A_179 = arith.constant 128 : i32
    %mul3A_180 = arith.muli %and3A_151, %mul3A_179 : i32
    %multiple_of3A_181 = tpu.assume_multiple %mul3A_180, 128 : i32
    %dma_wait3A_182 = arith.constant 0 : i32
    %dma_wait3A_183 = tpu.memref_slice %arg2[%select_n3A_175, %sub3A_178, %dma_wait3A_182, %multiple_of3A_181] : memref<7x7x30x1024xf32, #tpu.memory_space<hbm>> -> memref<1x1x30x128xf32, #tpu.memory_space<hbm>>
    %dma_wait3A_184 = tpu.memref_squeeze %dma_wait3A_183 : memref<1x1x30x128xf32, #tpu.memory_space<hbm>> -> memref<30x128xf32, #tpu.memory_space<hbm>>
    %dma_wait3A_185 = arith.constant 0 : i32
    %dma_wait3A_186 = tpu.memref_slice %arg2[%select_n3A_175, %sub3A_178, %dma_wait3A_185, %multiple_of3A_181] : memref<7x7x30x1024xf32, #tpu.memory_space<hbm>> -> memref<1x1x30x128xf32, #tpu.memory_space<hbm>>
    %dma_wait3A_187 = tpu.memref_squeeze %dma_wait3A_186 : memref<1x1x30x128xf32, #tpu.memory_space<hbm>> -> memref<30x128xf32, #tpu.memory_space<hbm>>
    tpu.wait_dma2 semaphore(%arg11 : memref<!tpu.dma_semaphore, #tpu.memory_space<semaphore_mem>>) src(%dma_wait3A_187 : memref<30x128xf32, #tpu.memory_space<hbm>>) dst(%arg6 : memref<30x128xf32, #tpu.memory_space<vmem>>)
    %dma_wait3A_188 = arith.constant 0 : i32
    %dma_wait3A_189 = tpu.memref_slice %arg3[%select_n3A_175, %sub3A_178, %dma_wait3A_188, %multiple_of3A_181] : memref<7x7x30x1024xf32, #tpu.memory_space<hbm>> -> memref<1x1x30x128xf32, #tpu.memory_space<hbm>>
    %dma_wait3A_190 = tpu.memref_squeeze %dma_wait3A_189 : memref<1x1x30x128xf32, #tpu.memory_space<hbm>> -> memref<30x128xf32, #tpu.memory_space<hbm>>
    %dma_wait3A_191 = arith.constant 0 : i32
    %dma_wait3A_192 = tpu.memref_slice %arg3[%select_n3A_175, %sub3A_178, %dma_wait3A_191, %multiple_of3A_181] : memref<7x7x30x1024xf32, #tpu.memory_space<hbm>> -> memref<1x1x30x128xf32, #tpu.memory_space<hbm>>
    %dma_wait3A_193 = tpu.memref_squeeze %dma_wait3A_192 : memref<1x1x30x128xf32, #tpu.memory_space<hbm>> -> memref<30x128xf32, #tpu.memory_space<hbm>>
    tpu.wait_dma2 semaphore(%arg11 : memref<!tpu.dma_semaphore, #tpu.memory_space<semaphore_mem>>) src(%dma_wait3A_193 : memref<30x128xf32, #tpu.memory_space<hbm>>) dst(%arg8 : memref<30x128xf32, #tpu.memory_space<vmem>>)
    %swap3A = arith.constant 0 : index
    %swap3A_194 = tpu.vector_load %arg9[%swap3A] {strides = array<i32>} : memref<16xf32, #tpu.memory_space<vmem>>, vector<16xf32>,
    tpu.vector_store %arg9[%swap3A], %scan3A_91 {strides = array<i32>} : memref<16xf32, #tpu.memory_space<vmem>>, vector<16xf32>,
    "tpu.region"() ({
      %run_scoped3A = tpu.sem_alloc : memref<!tpu.dma_semaphore, #tpu.memory_space<semaphore_mem>>
      %dma_start3A_195 = arith.constant 0 : i32
      %dma_start3A_196 = tpu.memref_slice %arg4[%add3A, %dma_start3A_195] : memref<32x16xf32, #tpu.memory_space<hbm>> -> memref<1x16xf32, #tpu.memory_space<hbm>>
      %dma_start3A_197 = tpu.memref_squeeze %dma_start3A_196 : memref<1x16xf32, #tpu.memory_space<hbm>> -> memref<16xf32, #tpu.memory_space<hbm>>
      %dma_start3A_198 = arith.constant 0 : i32
      %dma_start3A_199 = tpu.memref_slice %arg4[%add3A, %dma_start3A_198] : memref<32x16xf32, #tpu.memory_space<hbm>> -> memref<1x16xf32, #tpu.memory_space<hbm>>
      %dma_start3A_200 = tpu.memref_squeeze %dma_start3A_199 : memref<1x16xf32, #tpu.memory_space<hbm>> -> memref<16xf32, #tpu.memory_space<hbm>>
      tpu.enqueue_dma source(%arg9 : memref<16xf32, #tpu.memory_space<vmem>>) target(%dma_start3A_200 : memref<16xf32, #tpu.memory_space<hbm>>) target_semaphore(%run_scoped3A : memref<!tpu.dma_semaphore, #tpu.memory_space<semaphore_mem>>)
      %dma_wait3A_201 = arith.constant 0 : i32
      %dma_wait3A_202 = tpu.memref_slice %arg4[%add3A, %dma_wait3A_201] : memref<32x16xf32, #tpu.memory_space<hbm>> -> memref<1x16xf32, #tpu.memory_space<hbm>>
      %dma_wait3A_203 = tpu.memref_squeeze %dma_wait3A_202 : memref<1x16xf32, #tpu.memory_space<hbm>> -> memref<16xf32, #tpu.memory_space<hbm>>
      %dma_wait3A_204 = arith.constant 0 : i32
      %dma_wait3A_205 = tpu.memref_slice %arg4[%add3A, %dma_wait3A_204] : memref<32x16xf32, #tpu.memory_space<hbm>> -> memref<1x16xf32, #tpu.memory_space<hbm>>
      %dma_wait3A_206 = tpu.memref_squeeze %dma_wait3A_205 : memref<1x16xf32, #tpu.memory_space<hbm>> -> memref<16xf32, #tpu.memory_space<hbm>>
      tpu.wait_dma2 semaphore(%run_scoped3A : memref<!tpu.dma_semaphore, #tpu.memory_space<semaphore_mem>>) src(%arg9 : memref<16xf32, #tpu.memory_space<vmem>>) dst(%dma_wait3A_206 : memref<16xf32, #tpu.memory_space<hbm>>)
      tpu.yield
    }) : () -> ()
    return
  }
}

</mosaic_0001>

<sc_bundles>
// kernel: kernel.3.cloned.1.call-start
scs
__scs_entry_jumppad:
0x0: {  	(pc) =	sbr.rel $0x88, $3  }
0x1: {  	(tag) =	ssettag $0x0;
	lr =	simm.s32 $0x1  }
0x2: {  	[smem:$0x3F9F] =	sst lr;
	_ =	strace $0xD0000000  }
0x3: {  	_ = 	snop  }
0x4: {  	_ = 	snop  }
0x5: {  	_ = 	snop  }
0x6: {  	_ = 	snop  }
0x7: {  	_ = 	snop  }
__scs_overlays_trampoline_lowered:
0x8: {  	[smem:$0x3FAE] =	sst s0  }
0x9: {  	[smem:$0x3FAF] =	sst s1  }
0xa: {  	[smem:$0x3FB0] =	sst s2  }
0xb: {  	[smem:$0x3FB1] =	sst s3  }
0xc: {  	[smem:$0x3FB2] =	sst s4  }
0xd: {  	[smem:$0x3FB3] =	sst s5  }
0xe: {  	[smem:$0x3FB4] =	sst s6  }
0xf: {  	[smem:$0x3FB5] =	sst s7  }
0x10: {  	[smem:$0x3FB6] =	sst s8  }
0x11: {  	[smem:$0x3FB7] =	sst s9;
	s0 =	simm.s32 @!p0 $0x0  }
0x12: {  	s1 =	sld [smem:$0x3F9D];
	s0 =	simm.s32 @p0 $0x1  }
0x13: {  	[smem:$0x3FB8] =	sst s0;
	s0 =	simm.s32 @!p1 $0x0  }
0x14: {  	s2 =	sld [smem:$0x3F9C];
	s0 =	simm.s32 @p1 $0x1  }
0x15: {  	[smem:$0x3FB9] =	sst s0;
	s0 =	simm.s32 @!p2 $0x0  }
0x16: {  	s3 =	sld [smem:$0x3FDB];
	s0 =	simm.s32 @p2 $0x1  }
0x17: {  	s4 =	simm.s32 $0x1BF5;
	[smem:$0x3FBB] =	sst s0  }
0x18: {  	s0 =	sld [smem:$0x3F9E];
	_ =	swait.ge [sflag:s4], $0x0  }
0x19: {  	s7 =	sld [smem:$0x3F9F]  }
0x1a: {  	s8 =	sadd.s32 $0xFFFFE003, lr  }
0x1b: {  	s9 =	sadd.s32 $0xFFFFFEF7, lr;
	s5 =	simm.s32 $0xFFFFFFFF;
	p2 =	slt.u32 s8, $0xFFFFF086  }
0x1c: {  	p1 =	slt.u32 s9, $0xF7A;
	s5 =	simm.s32 @!p2 $0x0  }
0x1d: {  	s5 =	simm.s32 @p1 $0x1;
	p0 =	seq.s32 s7, s2  }
0x1e: {  	s7 =	smul.u32 @!p0 $0xF7A, s2;
	p2 =	seq.s32 @!p0 s5, $0x0  }
0x1f: {  	s9 =	smul.u32 $0xF7A, s1;
	s8 =	simm.s32 @!p0 $0x1BF5;
	p2 =	por !p2, p0  }
0x20: {  	[sflag:s8] =	ssyncset.s32 @!p0 $0xFFFFF086;
	s6 =	sadd.s32 @!p0 s3, s7;
	s7 =	simm.s32 @!p0 $0x108  }
0x21: {  	s3 =	sadd.s32 s3, s9;
	s6 =	sadd.s32 @!p0 $0x88, s6;
	s7 =	simm.s32 @p2 $0x1082  }
0x22: {  	[simem:s7], [sflag:s8] =	dma.local @!p0 [hbm:s6], $0xF7A  }
0x23: {  	s9 =	sor.u32 $0xD0000000, s2;
	s6 =	simm.s32 $0x108;
	_ =	swait.ge @!p0 [sflag:s8], $0x0  }
0x24: {  	s3 =	sadd.s32 $0x88, s3;
	s6 =	simm.s32 @!p1 $0x1082;
	[sflag:s4] =	ssyncset.s32 $0xFFFFF086  }
0x25: {  	[simem:s6], [sflag:s4] =	dma.local [hbm:s3], $0xF7A  }
0x26: {  	[smem:$0x3F9F] =	sst s1;
	(tag) =	ssettag s2;
	_ =	strace s9  }
0x27: {  	s1 =	sld [smem:$0x3FAF]  }
0x28: {  	s2 =	sld [smem:$0x3FB0]  }
0x29: {  	s4 =	sld [smem:$0x3FB2]  }
0x2a: {  	p0 =	seq.s32 s5, $0x0;
	s5 =	sld [smem:$0x3FB3]  }
0x2b: {  	s6 =	sld [smem:$0x3FB4]  }
0x2c: {  	s7 =	sld [smem:$0x3FB5]  }
0x2d: {  	s3 =	simm.s32 $0x108;
	s8 =	sld [smem:$0x3FB6]  }
0x2e: {  	s3 =	simm.s32 @!p0 $0x1082;
	s9 =	sld [smem:$0x3FB7]  }
0x2f: {  	lr =	sadd.s32 s0, s3;
	s0 =	sld [smem:$0x3FAE]  }
0x30: {  	s3 =	sld [smem:$0x3FB1]  }
0x31: {  	[smem:$0x3FBA] =	sst s10  }
0x32: {  	s10 =	sld [smem:$0x3FB8];
	_ =	sdelay $0x3  }
0x33: {  	p0 =	seq.s32 s10, $0x1;
	s10 =	sld [smem:$0x3FBA];
	_ =	sdelay $0x3  }
0x34: {  	[smem:$0x3FBA] =	sst s10  }
0x35: {  	s10 =	sld [smem:$0x3FB9];
	_ =	sdelay $0x3  }
0x36: {  	p1 =	seq.s32 s10, $0x1;
	s10 =	sld [smem:$0x3FBA];
	_ =	sdelay $0x3  }
0x37: {  	[smem:$0x3FBA] =	sst s10  }
0x38: {  	s10 =	sld [smem:$0x3FBB]  }
0x39: {  	_ = 	snop;
	(pc) =	sbr.ind lr, $3  }
0x3a: {  	_ = 	snop  }
0x3b: {  	_ = 	snop  }
0x3c: {  	p2 =	seq.s32 s10, $0x1;
	s10 =	sld [smem:$0x3FBA]  }
0x3d: {  	_ =	shalt  }
0x3e: {  	_ =	shalt  }
0x3f: {  	_ =	shalt  }
0x40: {  	_ =	shalt  }
0x41: {  	_ =	shalt  }
0x42: {  	_ =	shalt  }
0x43: {  	_ =	shalt  }
0x44: {  	_ =	shalt  }
0x45: {  	_ =	shalt  }
0x46: {  	_ =	shalt  }
0x47: {  	_ =	shalt  }
0x48: {  	_ =	shalt  }
0x49: {  	_ =	shalt  }
0x4a: {  	_ =	shalt  }
0x4b: {  	_ =	shalt  }
0x4c: {  	_ =	shalt  }
0x4d: {  	_ =	shalt  }
0x4e: {  	_ =	shalt  }
0x4f: {  	_ =	shalt  }
0x50: {  	_ =	shalt  }
0x51: {  	_ =	shalt  }
0x52: {  	_ =	shalt  }
0x53: {  	_ =	shalt  }
0x54: {  	_ =	shalt  }
0x55: {  	_ =	shalt  }
0x56: {  	_ =	shalt  }
0x57: {  	_ =	shalt  }
0x58: {  	_ =	shalt  }
0x59: {  	_ =	shalt  }
0x5a: {  	_ =	shalt  }
0x5b: {  	_ =	shalt  }
0x5c: {  	_ =	shalt  }
0x5d: {  	_ =	shalt  }
0x5e: {  	_ =	shalt  }
0x5f: {  	_ =	shalt  }
0x60: {  	_ =	shalt  }
0x61: {  	_ =	shalt  }
0x62: {  	_ =	shalt  }
0x63: {  	_ =	shalt  }
0x64: {  	_ =	shalt  }
0x65: {  	_ =	shalt  }
0x66: {  	_ =	shalt  }
0x67: {  	_ =	shalt  }
0x68: {  	_ =	shalt  }
0x69: {  	_ =	shalt  }
0x6a: {  	_ =	shalt  }
0x6b: {  	_ =	shalt  }
0x6c: {  	_ =	shalt  }
0x6d: {  	_ =	shalt  }
0x6e: {  	_ =	shalt  }
0x6f: {  	_ =	shalt  }
0x70: {  	_ =	shalt  }
0x71: {  	_ =	shalt  }
0x72: {  	_ =	shalt  }
0x73: {  	_ =	shalt  }
0x74: {  	_ =	shalt  }
0x75: {  	_ =	shalt  }
0x76: {  	_ =	shalt  }
0x77: {  	_ =	shalt  }
0x78: {  	_ =	shalt  }
0x79: {  	_ =	shalt  }
0x7a: {  	_ =	shalt  }
0x7b: {  	_ =	shalt  }
0x7c: {  	_ =	shalt  }
0x7d: {  	_ =	shalt  }
0x7e: {  	_ =	shalt  }
0x7f: {  	_ =	shalt  }
0x80: {  	_ =	shalt  }
0x81: {  	_ =	shalt  }
0x82: {  	_ =	shalt  }
0x83: {  	_ =	shalt  }
0x84: {  	_ =	shalt  }
0x85: {  	_ =	shalt  }
0x86: {  	_ =	shalt  }
0x87: {  	_ =	shalt  }
.Lfunc_end0:
.L_simem_size_0:
called_computation_lowered:
.L_overlay_start_0:
0x88: {  	s2 =	sld [smem:$0x3FD9]  }
0x89: {  	s3 =	sld [smem:$0x3FFE];
	_ =	sdelay $0x1  }
0x8a: {  	s1 =	srdreg.scid  }
0x8b: {  	s0 =	sand.u32 $0x1, s1  }
0x8c: {  	s17 =	sshll.u32 s0, $0xA;
	s2 =	sadd.s32 s3, s2  }
0x8d: {  	s2 =	sadd.s32 s2, s17  }
0x8e: {  	[smem:$0x3FC6] =	sst s2  }
0x8f: {  	_ = 	snop  }
0x90: {  	s2 =	sld [smem:$0x3FC9]  }
0x91: {  	s18 =	sld [smem:$0x3FC8];
	(tm) =	ssettm $0x1  }
0x92: {  	s4 =	sld [smem:$0x3FFB];
	_ =	sdelay $0x3  }
0x93: {  	_ =	strace s4  }
0x94: {  	s4 =	sld [smem:$0x3FFC];
	_ =	sdelay $0x3  }
0x95: {  	_ =	strace s4  }
0x96: {  	s4 =	sld [smem:$0x3FFD];
	_ =	sdelay $0x3  }
0x97: {  	_ =	strace s4  }
0x98: {  	_ =	strace $0x8FFFFFFF  }
0x99: {  	s19 =	sld [smem:$0x3FDB];
	_ =	sdelay $0x1  }
0x9a: {  	s5 =	simm.s32 $_scs_section_size  }
0x9b: {  	s6 =	simm.s32 $_size__tile_overlayer_lowered;
	s7 =	simm.s32 $_tile_overlayer_lowered  }
0x9c: {  	s22 =	simm.s32 $0x1BFF;
	s21 =	sshll.u32 s7, $0x1;
	s4 =	sadd.s32 s5, s19  }
0x9d: {  	s8 =	simm.s32 $0x0;
	s20 =	sshll.u32 s6, $0x1;
	s6 =	sadd.s32 s21, s4  }
0x9e: {  	[timem:s8], [sflag:s22] =	dma.local [hbm:s6], s20  }
0x9f: {  	_ =	swait.ge [sflag:s22], s20  }
0xa0: {  	s5 =	ssub.s32 $0x0, s20;
	[sflag:s22] =	ssyncset.done $0x0  }
0xa1: {  	[sflag:s22] =	ssyncadd.s32 s5;
	_ =	sdelay $0x1  }
0xa2: {  	s23 =	simm.s32 $0x1B8B  }
0xa3: {  	_ =	swait.ge [sflag:s23], $0x1  }
0xa4: {  	[sflag:s23] =	ssyncset.done $0x0  }
0xa5: {  	s25 =	simm.s32 $0x1B8E;
	s24 =	sld [smem:$0x3FFE];
	[sflag:s23] =	ssyncadd.s32 $0xFFFFFFFF  }
0xa6: {  	s26 =	simm.s32 $execute0_lowered;
	[smem:$0x3FD2] =	sst s25  }
0xa7: {  	s6 =	sshll.u32 s26, $0x1;
	_ =	strace $0x80000046;
	[dreg:$0x1] =	wrdreg $0xFFFFFFFF  }
0xa8: {  	s28 =	simm.s32 $_size_execute0_lowered;
	s4 =	sadd.s32 s4, s6;
	[dreg:$0x0] =	wrdreg $0x0  }
0xa9: {  	s6 =	sshll.u32 s28, $0x1;
	[dreg:$0x2] =	wrdreg s4  }
0xaa: {  	[dreg:$0x3] =	wrdreg s6  }
0xab: {  	[dreg:$0x4] =	wrdreg $0xC0  }
0xac: {  	_ =	task [dreg:s8], $0x5FFFF  }
0xad: {  	[dreg:$0x1] =	wrdreg $0xFFFFFFFF  }
0xae: {  	[dreg:$0x0] =	wrdreg $0x60  }
0xaf: {  	[dreg:$0x2] =	wrdreg s2  }
0xb0: {  	[dreg:$0x3] =	wrdreg s18  }
0xb1: {  	[dreg:$0x4] =	wrdreg s24  }
0xb2: {  	[dreg:$0x5] =	wrdreg $0x9  }
0xb3: {  	_ =	task.clear_ibuf [dreg:s8], $0x6FFFF;
	_ =	strace $0x90000046  }
0xb4: {  	s29 =	simm.s32 $0x9;
	_ =	strace $0x80000048  }
0xb5: {  	_ =	swait.ge [sflag:s29], $0x1  }
0xb6: {  	[sflag:s29] =	ssyncadd.s32 $0xFFFFFFFF  }
0xb7: {  	_ =	strace $0x90000048  }
0xb8: {  	_ =	sfence  }
0xb9: {  	s30 =	sld [smem:$0x0];
	_ =	sdelay $0x2  }
0xba: {  	s31 =	sshll.u32 s1, $0xD;
	s1 =	sshrl.u32 s1, $0x2  }
0xbb: {  	s3 =	sand.u32 $0x4000, s31;
	s1 =	sadd.s32 s1, s30  }
0xbc: {  	s0 =	sor.u32 s3, s0;
	s1 =	sshll.u32 s1, $0x11  }
0xbd: {  	s0 =	sor.u32 s1, s0  }
0xbe: {  	s0 =	sadd.s32 $0x8F2B, s0  }
0xbf: {  	[sflag:s0] =	ssyncadd.remote.s32 $0x1  }
0xc0: {  	_ =	sfence.sel $0xFFFF  }
0xc1: {  	[dreg:$0x0] =	wrdreg $0xFFFFFFFF;
	(pc) =	sbr.abs _section_cstart, $3  }
0xc2: {  	[dreg:$0x1] =	wrdreg $0xFFFFFFFF  }
0xc3: {  	_ =	task.clear_ibuf [dreg:s8], $0x2FFFF;
	_ =	strace $0x9FFFFFFF  }
0xc4: {  	(tm) =	ssettm $0x7FFFFFFF  }
0xc5: {  	_ =	shalt  }
tec
execute0_lowered:
.L_overlay_start_1:
0x0: {  	(tag) =	ssettag $0x1  }
0x1: {  	s1 =	rddreg [dreg:$0x0]  }
0x2: {  	s3 =	rddreg [dreg:$0x1]  }
0x3: {  	s0 =	rddreg [dreg:$0x2]  }
0x4: {  	s2 =	srdreg.scid;
	s8 =	stileid.u32;
	s4 =	simm.s32 $0x0  }
0x5: {  	s9 =	simm.s32 $0xFFFFFFF9;
	s16 =	simm.s32 $0x400;
	s17 =	simm.s32 $0x2000  }
0x6: {  	s18 =	simm.s32 $0xC00;
	s19 =	simm.s32 $0x2C00;
	s20 =	simm.s32 $0x1000  }
0x7: {  	s21 =	simm.s32 $0x1C00;
	s22 =	simm.s32 $0x3000;
	s23 =	simm.s32 $0x3C00  }
0x8: {  	s24 =	simm.s32 $0x1;
	s28 =	simm.s32 $0x3;
	s29 =	simm.s32 $0x0  }
0x9: {  	s2 =	sand.u32 $0x1, s2;
	s5 =	sshll.u32 s8, $0x1;
	[smem:$0x7FF] =	sst s4  }
0xa: {  	s8 =	sshll.u32 s8, $0xA;
	s6 =	ssub.s32 $0x2, s2;
	s5 =	sor.u32 s2, s5  }
0xb: {  	_ =	strace $0x80000047;
	s25 =	sshrl.u32 s6, $0x1;
	s7 =	sor.u32 $0x20, s5  }
0xc: {  	s10 =	sshll.u32 s5, $0x7;
	s26 =	sshll.u32 s5, $0xA;
	s14 =	sshll.u32 s5, $0x4  }
0xd: {  	p0 =	sgt.u32 s7, $0x37;
	s7 =	sshrl.u32 s7, $0x3;
	s8 =	sor.u32 s8, s10  }
0xe: {  	s10 =	simm.s32 $0x38000;
	s2 =	ssub.s32 s6, s25;
	s9 =	simm.s32 @!p0 $0x0  }
0xf: {  	s14 =	sadd.s32 s0, s14;
	s25 =	simm.s32 $0x2;
	s7 =	sadd.s32 s7, s9  }
0x10: {  	s10 =	simm.s32 @!p0 $0x0;
	s8 =	sand.u32 $0x3380, s8;
	s7 =	sshll.u32 s7, $0xF  }
0x11: {  	s15 =	smax.u32 s2, $0x1;
	s9 =	sand.u32 $0x1C00, s26;
	s7 =	sadd.s32 s10, s7  }
0x12: {  	s6 =	sadd.s32 s1, s8;
	s8 =	sadd.s32 s3, s8;
	s9 =	sor.u32 s9, s7  }
0x13: {  	s30 =	sadd.s32 $0xC00, s6;
	s31 =	sadd.s32 $0xC00, s8;
	s11 =	sshrl.u32 s9, $0x3  }
0x14: {  	[dreg:$0x4] =	wrdreg s30;
	s10 =	sadd.s32 s1, s11;
	s11 =	sadd.s32 s3, s11  }
0x15: {  	v0 =	vimm.f32 $0.0e+00;
	[dreg:$0x5] =	wrdreg s31;
	s12 =	sadd.s32 $0xC00, s10;
	s13 =	sadd.s32 $0xC00, s11  }
.LBB2_1:
0x16: {  	[tilespmem:s4], [sflag:$0x1] =	stream.strided.gather [hbm4b:s6+s16], $0xC00, s17, s16, $0x38;
	[tilespmem:$0x4080] =	vst v63  }
0x17: {  	s0 =	rddreg [dreg:$0x4]  }
0x18: {  	[tilespmem:s18], [sflag:$0x1] =	stream.linear.gather [hbm4b:s0+s4], $0x300, $0x38;
	[tilespmem:$0x4080] =	vst v63  }
0x19: {  	_ = 	snop  }
0x1a: {  	[tilespmem:s17], [sflag:$0x1] =	stream.strided.gather [hbm4b:s8+s16], $0xC00, s17, s16, $0x38;
	[tilespmem:$0x4080] =	vst v63  }
0x1b: {  	s31 =	rddreg [dreg:$0x5]  }
0x1c: {  	[tilespmem:s19], [sflag:$0x1] =	stream.linear.gather [hbm4b:s31+s4], $0x300, $0x38;
	[tilespmem:$0x4080] =	vst v63  }
0x1d: {  	_ = 	snop  }
0x1e: {  	[tilespmem:s20], [sflag:$0x2] =	stream.strided.gather [hbm4b:s10+s16], $0xC00, s17, s16, $0x38;
	[tilespmem:$0x4080] =	vst v63  }
0x1f: {  	_ = 	snop  }
0x20: {  	[tilespmem:s21], [sflag:$0x2] =	stream.linear.gather [hbm4b:s12+s4], $0x300, $0x38;
	[tilespmem:$0x4080] =	vst v63  }
0x21: {  	_ = 	snop  }
0x22: {  	[tilespmem:s22], [sflag:$0x2] =	stream.strided.gather [hbm4b:s11+s16], $0xC00, s17, s16, $0x38;
	[tilespmem:$0x4080] =	vst v63  }
0x23: {  	s30 =	simm.s32 $0x0  }
0x24: {  	v1 =	vimm.f32 $0.0e+00;
	[tilespmem:s23], [sflag:$0x2] =	stream.linear.gather [hbm4b:s13+s4], $0x300, $0x38;
	[tilespmem:$0x4080] =	vst v63  }
.LBB2_2:
0x25: {  	_ =	swait.ge [sflag:s24], $0xF00  }
0x26: {  	[sflag:s24] =	ssyncset.done $0x0  }
0x27: {  	[sflag:s24] =	ssyncadd.s32 $0xFFFFF100  }
0x28: {  	_ =	swait.ge [sflag:s24], $0xF00  }
0x29: {  	[sflag:s24] =	ssyncset.done $0x0  }
0x2a: {  	s0 =	simm.s32 $0xFFFFFF80;
	[sflag:s24] =	ssyncadd.s32 $0xFFFFF100  }
0x2b: {  	v4 =	vld [tilespmem:s0+$0x280]  }
0x2c: {  	v6 =	vld [tilespmem:s0+$0x500]  }
0x2d: {  	v3 =	vld [tilespmem:s0+$0x2280]  }
0x2e: {  	v8 =	vld [tilespmem:s0+$0xD80]  }
0x2f: {  	v9 =	vld [tilespmem:s0+$0xE00]  }
0x30: {  	v20 =	vld [tilespmem:s0+$0xE80]  }
0x31: {  	v23 =	vld [tilespmem:s0+$0xF00]  }
0x32: {  	v21 =	vld [tilespmem:s0+$0x2D80]  }
0x33: {  	v22 =	vld [tilespmem:s0+$0x2E00]  }
0x34: {  	v25 =	vld [tilespmem:s0+$0x2E80]  }
0x35: {  	v27 =	vld [tilespmem:s0+$0x2F00]  }
0x36: {  	v32 =	vld [tilespmem:s0+$0x2300]  }
0x37: {  	v19 =	vld [tilespmem:s0+$0x2380]  }
0x38: {  	v18 =	vld [tilespmem:s0+$0x580]  }
0x39: {  	v15 =	vld [tilespmem:s0+$0x600]  }
0x3a: {  	v16 =	vld [tilespmem:s0+$0x680]  }
0x3b: {  	v17 =	vld [tilespmem:s0+$0x700]  }
0x3c: {  	v14 =	vld [tilespmem:s0+$0x780]  }
0x3d: {  	v13 =	vld [tilespmem:s0+$0x800]  }
0x3e: {  	v33 =	vld [tilespmem:s0+$0x80]  }
0x3f: {  	v31 =	vld [tilespmem:s0+$0x300]  }
0x40: {  	v11 =	vld [tilespmem:s0+$0x180]  }
0x41: {  	v2 =	vld [tilespmem:s0+$0x200]  }
0x42: {  	v10 =	vld [tilespmem:s0+$0x2180]  }
0x43: {  	v12 =	vld [tilespmem:s0+$0x2200]  }
0x44: {  	v34 =	vld [tilespmem:s0+$0x2080]  }
0x45: {  	v26 =	vld [tilespmem:s0+$0x880];
	v5 =	vsub.f32 $1.000000000e+00, v3  }
0x46: {  	v28 =	vld [tilespmem:s0+$0x100];
	v7 =	vsub.f32 v4, v3;
	v6 =	vsub.f32 v6, v3  }
0x47: {  	v29 =	vld [tilespmem:s0+$0x2100];
	v4 =	vimm.f32 $0.0e+00;
	v24 =	vsub.f32 v8, v21;
	v22 =	vsub.f32 v9, v22  }
0x48: {  	v25 =	vsub.f32 v20, v25;
	v21 =	vld [tilespmem:s0+$0x400];
	v30 =	vmul.f32 v12, v10;
	v37 =	vmul.f32 v2, v11  }
0x49: {  	v23 =	vsub.f32 v23, v27;
	v20 =	vld [tilespmem:s0+$0x480];
	v35 =	vmul.f32 $5.000000000e-01, v10;
	v8 =	vsub.f32 v31, v32  }
0x4a: {  	s31 =	simm.s32 $0xFFFFFE40;
	v9 =	vsub.f32 v33, v34;
	v27 =	vld [tilespmem:s0+$0x900];
	v36 =	vmul.f32 $5.000000000e-01, v12;
	v32 =	vadd.f32 v30, v37  }
.LBB2_3:
0x4b: {  	p0 =	sne.s32 s31, $0xFFFFFFC0;
	v37 =	vld [tilespmem:s0+$0x380];
	v38 =	vsub.f32 v34, v35;
	v34 =	vadd.f32 v35, v34;
	v35 =	vmul.f32 $5.000000000e-01, v11  }
0x4c: {  	v41 =	vmul.f32 $5.000000000e-01, v2;
	v39 =	vld [tilespmem:s0+$0x980];
	v40 =	vsub.f32 v29, v36;
	v36 =	vadd.f32 v36, v29  }
0x4d: {  	v42 =	vld [tilespmem:s0+$0xA00];
	v43 =	vadd.f32 v35, v33;
	v33 =	vsub.f32 v33, v35;
	v35 =	vmul.f32 $5.000000000e-01, v21  }
0x4e: {  	v45 =	vadd.f32 v41, v28;
	v41 =	vsub.f32 v28, v41;
	v44 =	vld [tilespmem:s0+$0xA80];
	v46 =	vmul.f32 $5.000000000e-01, v20  }
0x4f: {  	v47 =	vld [tilespmem:s0+$0xB00];
	v48 =	vadd.f32 v35, v31;
	v31 =	vsub.f32 v31, v35  }
0x50: {  	v50 =	vmul.f32 v20, v21;
	v35 =	vld [tilespmem:s0+$0xB80];
	v49 =	vadd.f32 v46, v37;
	v46 =	vsub.f32 v37, v46  }
0x51: {  	v43 =	vmin.f32 v43, v34;
	v33 =	vmax.f32 v33, v38;
	v45 =	vmin.f32 v45, v36;
	v51 =	vld [tilespmem:s0+$0x2580]  }
0x52: {  	v41 =	vmax.f32 v41, v40;
	v34 =	vmin.f32 v48, v34;
	v31 =	vmax.f32 v31, v38;
	v52 =	vld [tilespmem:s0+$0x2600]  }
0x53: {  	vm0 =	vlt.f32 v43, v33;
	v33 =	vmin.f32 v49, v36;
	v36 =	vmax.f32 v46, v40;
	v38 =	vld [tilespmem:s0+$0x2680]  }
0x54: {  	vm1 =	vlt.f32 v45, v41;
	vm2 =	vlt.f32 v34, v31;
	vm3 =	vlt.f32 v33, v36;
	v40 =	vld [tilespmem:s0+$0x2700]  }
0x55: {  	vm0 =	vmand vm0, vm1;
	v33 =	vadd.f32 v30, v50;
	vm1 =	vmand vm2, vm3;
	v31 =	vld [tilespmem:s0+$0x2780]  }
0x56: {  	v36 =	vsel vm0, $0x3F800000, v0;
	v30 =	vsub.f32 v37, v19;
	v41 =	vsel vm1, $0x3F800000, v0;
	v34 =	vld [tilespmem:s0+$0x2800]  }
0x57: {  	v32 =	vsub.f32 v32, v36;
	v33 =	vsub.f32 v33, v41;
	v19 =	vld [tilespmem:s0+$0x2880]  }
0x58: {  	v28 =	vsub.f32 v28, v29;
	v18 =	vsub.f32 v18, v51;
	v37 =	vld [tilespmem:s0+$0x2900]  }
0x59: {  	v41 =	vmul.f32 v32, v41;
	v15 =	vsub.f32 v15, v52;
	v36 =	vmul.f32 v33, v36;
	v29 =	vld [tilespmem:s0+$0x2980]  }
0x5a: {  	v16 =	vsub.f32 v16, v38;
	v17 =	vsub.f32 v17, v40;
	v43 =	vld [tilespmem:s0+$0xC00]  }
0x5b: {  	v32 =	vmul.f32 v33, v32;
	v36 =	vsub.f32 v41, v36;
	v14 =	vsub.f32 v14, v31;
	v38 =	vld [tilespmem:s0+$0x2400]  }
0x5c: {  	v13 =	vsub.f32 v13, v34;
	v31 =	vld [tilespmem:s0+$0x2480];
	v19 =	vsub.f32 v26, v19  }
0x5d: {  	v24 =	vmul.f32 v24, v24;
	v32 =	vmul.f32 v36, v32;
	v26 =	vld [tilespmem:s0+$0x2A00];
	v27 =	vsub.f32 v27, v37  }
0x5e: {  	v22 =	vmul.f32 v22, v22;
	v25 =	vmul.f32 v25, v25;
	v33 =	vld [tilespmem:s0+$0x2A80];
	v29 =	vsub.f32 v39, v29  }
0x5f: {  	v23 =	vmul.f32 v23, v23;
	v18 =	vmul.f32 v18, v18;
	vm0 =	vgt.f32 v32, $0.0e+00;
	v34 =	vld [tilespmem:s0+$0xC80]  }
0x60: {  	v15 =	vmul.f32 v15, v15;
	v16 =	vmul.f32 v16, v16;
	v11 =	vsel vm0, v21, v11;
	v32 =	vld [tilespmem:s0+$0xD00]  }
0x61: {  	v2 =	vsel vm0, v20, v2;
	v10 =	vsel vm0, v38, v10;
	v21 =	vld [tilespmem:s0+$0x2B00];
	v12 =	vsel vm0, v31, v12  }
0x62: {  	v31 =	vmul.f32 v10, v11;
	v20 =	vld [tilespmem:s0+$0x2B80];
	v36 =	vmul.f32 v12, v2;
	v26 =	vsub.f32 v42, v26  }
0x63: {  	v17 =	vmul.f32 v17, v17;
	v14 =	vmul.f32 v14, v14;
	v37 =	vld [tilespmem:s0+$0x2C00];
	v33 =	vsub.f32 v44, v33  }
0x64: {  	v13 =	vmul.f32 v13, v13;
	v39 =	vshrl.u32 v31, $0x1;
	v38 =	vld [tilespmem:s0+$0x2C80];
	v40 =	vshrl.u32 v36, $0x1  }
0x65: {  	v19 =	vmul.f32 v19, v19;
	v39 =	vsub.s32 $0x5F3759DF, v39;
	v41 =	vld [tilespmem:s0+$0x2D00];
	v40 =	vsub.s32 $0x5F3759DF, v40  }
0x66: {  	s0 =	sshra.s32 s31, $0x2;
	v42 =	vmul.f32 v39, v31;
	v44 =	vmul.f32 v40, v36;
	v21 =	vsub.f32 v47, v21  }
0x67: {  	v27 =	vmul.f32 v27, v27;
	v29 =	vmul.f32 v29, v29;
	v45 =	vld [tilespmem:s0+$0x280];
	v20 =	vsub.f32 v35, v20  }
0x68: {  	v42 =	vmul.f32 v39, v42;
	v35 =	vld [tilespmem:s0+$0x500];
	v44 =	vmul.f32 v40, v44;
	v37 =	vsub.f32 v43, v37  }
0x69: {  	v26 =	vmul.f32 v26, v26;
	v33 =	vmul.f32 v33, v33;
	v43 =	vld [tilespmem:s0+$0x2280];
	v34 =	vsub.f32 v34, v38  }
0x6a: {  	v46 =	vmul.f32 $3.000000000e+00, v42;
	v38 =	vld [tilespmem:s0+$0xD80];
	v47 =	vmul.f32 $3.000000000e+00, v44;
	v32 =	vsub.f32 v32, v41  }
0x6b: {  	v22 =	vadd.f32 v22, v24;
	v21 =	vmul.f32 v21, v21;
	v20 =	vmul.f32 v20, v20;
	v41 =	vld [tilespmem:s0+$0xE00]  }
0x6c: {  	v37 =	vmul.f32 v37, v37;
	v24 =	vsub.f32 $1.000000000e+01, v46;
	v48 =	vld [tilespmem:s0+$0xE80];
	v46 =	vsub.f32 $1.000000000e+01, v47  }
0x6d: {  	v23 =	vadd.f32 v23, v25;
	v15 =	vadd.f32 v15, v18;
	v34 =	vmul.f32 v34, v34;
	v47 =	vld [tilespmem:s0+$0xF00]  }
0x6e: {  	v16 =	vadd.f32 v17, v16;
	v18 =	vmul.f32 v24, v42;
	v25 =	vld [tilespmem:s0+$0x2D80];
	v24 =	vmul.f32 v46, v44  }
0x6f: {  	v13 =	vadd.f32 v13, v14;
	v14 =	vadd.f32 v27, v19;
	v17 =	vmul.f32 $1.250000000e-01, v39;
	v42 =	vld [tilespmem:s0+$0x2E00]  }
0x70: {  	v19 =	vmul.f32 $1.250000000e-01, v40;
	v18 =	vsub.f32 $1.500000000e+01, v18;
	v27 =	vld [tilespmem:s0+$0x2E80];
	v24 =	vsub.f32 $1.500000000e+01, v24  }
0x71: {  	v26 =	vadd.f32 v26, v29;
	v21 =	vadd.f32 v21, v33;
	v32 =	vmul.f32 v32, v32;
	v39 =	vld [tilespmem:s0+$0x2F00]  }
0x72: {  	v20 =	vadd.f32 v37, v20;
	v17 =	vmul.f32 v18, v17;
	v40 =	vld [tilespmem:s0+$0x2300];
	v24 =	vmul.f32 v24, v19  }
0x73: {  	v29 =	vadd.f32 v32, v34;
	v32 =	vadd.f32 v16, v15;
	v19 =	vld [tilespmem:s0+$0x2380]  }
0x74: {  	v10 =	vadd.f32 v10, v11;
	v11 =	vmul.f32 v17, v31;
	v18 =	vld [tilespmem:s0+$0x580];
	v17 =	vmul.f32 v24, v36  }
0x75: {  	v21 =	vadd.f32 v21, v26;
	v24 =	vmul.f32 v7, v7;
	v7 =	vadd.f32 v14, v13;
	v15 =	vld [tilespmem:s0+$0x600]  }
0x76: {  	v8 =	vsel vm0, v8, v9;
	v2 =	vadd.f32 v10, v2;
	v16 =	vld [tilespmem:s0+$0x680];
	v9 =	vadd.f32 v17, v11  }
0x77: {  	v8 =	vmul.f32 v8, v8;
	v10 =	vsel vm0, v30, v28;
	v11 =	vadd.f32 v29, v20;
	v17 =	vld [tilespmem:s0+$0x700]  }
0x78: {  	v10 =	vmul.f32 v10, v10;
	v2 =	vadd.f32 v2, v12;
	v14 =	vld [tilespmem:s0+$0x780];
	v9 =	vadd.f32 v9, v9  }
0x79: {  	v6 =	vmul.f32 v6, v6;
	v7 =	vadd.f32 v7, v32;
	v12 =	vadd.f32 v11, v21;
	v13 =	vld [tilespmem:s0+$0x800]  }
0x7a: {  	v8 =	vadd.f32 v10, v8;
	v33 =	vld [tilespmem:s0+$0x80];
	v2 =	vsub.f32 v2, v9  }
0x7b: {  	v20 =	vadd.f32 v23, v22;
	v9 =	vadd.f32 v6, v24;
	v31 =	vld [tilespmem:s0+$0x300]  }
0x7c: {  	v7 =	vadd.f32 v12, v7;
	v11 =	vld [tilespmem:s0+$0x180];
	v8 =	vadd.f32 v2, v8  }
0x7d: {  	v2 =	vld [tilespmem:s0+$0x200]  }
0x7e: {  	v9 =	vmul.f32 v9, v5;
	v20 =	vadd.f32 v20, v7;
	v10 =	vld [tilespmem:s0+$0x2180];
	v8 =	vmul.f32 $5.000000000e+00, v8  }
0x7f: {  	v6 =	vsel vm0, v6, v24;
	v5 =	vsub.f32 $1.000000000e+00, v43;
	v7 =	vsub.f32 v45, v43;
	v12 =	vld [tilespmem:s0+$0x2200]  }
0x80: {  	v21 =	vmul.f32 v6, v3;
	v9 =	vmul.f32 $5.000000000e-01, v9;
	v34 =	vld [tilespmem:s0+$0x2080];
	v8 =	vadd.f32 v20, v8  }
0x81: {  	v24 =	vsub.f32 v38, v25;
	v6 =	vsub.f32 v35, v43;
	v26 =	vld [tilespmem:s0+$0x880]  }
.Ltmp0:
0x82: {  	v22 =	vsub.f32 v41, v42;
	v9 =	vadd.f32 v21, v9;
	v28 =	vld [tilespmem:s0+$0x100];
	v8 =	vmul.f32 v8, v3;
	v3 =	vmovc v43;
	(pc) =	sbr.rel @p0 .LBB2_3-.Ltmp0, $4  }
0x83: {  	v23 =	vsub.f32 v47, v39;
	v25 =	vsub.f32 v48, v27;
	v29 =	vld [tilespmem:s0+$0x2100]  }
0x84: {  	v32 =	vmul.f32 v2, v11;
	v21 =	vld [tilespmem:s0+$0x400];
	v30 =	vmul.f32 v12, v10;
	v37 =	vadd.f32 v8, v9  }
0x85: {  	v35 =	vmul.f32 $5.000000000e-01, v10;
	v8 =	vsub.f32 v31, v40;
	v20 =	vld [tilespmem:s0+$0x480];
	v9 =	vsub.f32 v33, v34  }
0x86: {  	s31 =	sadd.s32 $0x40, s31;
	v36 =	vmul.f32 $5.000000000e-01, v12;
	v27 =	vld [tilespmem:s0+$0x900];
	v32 =	vadd.f32 v30, v32;
	v4 =	vadd.f32 v37, v4  }
0x87: {  	v37 =	vld [tilespmem:s0+$0x380]  }
0x88: {  	v38 =	vld [tilespmem:s0+$0x980]  }
0x89: {  	v39 =	vld [tilespmem:s0+$0xA00]  }
0x8a: {  	v40 =	vld [tilespmem:s0+$0xA80]  }
0x8b: {  	v41 =	vld [tilespmem:s0+$0xB00]  }
0x8c: {  	v42 =	vld [tilespmem:s0+$0xB80]  }
0x8d: {  	v43 =	vld [tilespmem:s0+$0x2580]  }
0x8e: {  	v45 =	vld [tilespmem:s0+$0x2600]  }
0x8f: {  	v48 =	vld [tilespmem:s0+$0x2680]  }
0x90: {  	v44 =	vsub.f32 v34, v35;
	v63 =	vadd.f32 v35, v34;
	v35 =	vld [tilespmem:s0+$0x2700]  }
0x91: {  	v57 =	vmul.f32 $5.000000000e-01, v11;
	v53 =	vld [tilespmem:s0+$0x2780]  }
0x92: {  	v50 =	vmul.f32 $5.000000000e-01, v2;
	v62 =	vld [tilespmem:s0+$0x2880];
	v46 =	vsub.f32 v29, v36;
	v58 =	vadd.f32 v36, v29  }
0x93: {  	s2 =	sshll.u32 s30, $0x6;
	v56 =	vld [tilespmem:s0+$0x2A00];
	v47 =	vmul.f32 $5.000000000e-01, v21;
	v49 =	vadd.f32 v57, v33;
	v59 =	vsub.f32 v33, v57  }
0x94: {  	v36 =	vld [tilespmem:s0+$0x2980];
	s31 =	sor.u32 s5, s2;
	v54 =	vadd.f32 v50, v28;
	v50 =	vsub.f32 v28, v50  }
0x95: {  	s2 =	smin.u32 s31, $0x147;
	v57 =	vld [tilespmem:s0+$0x2A80];
	v28 =	vsub.f32 v28, v29;
	v51 =	vmul.f32 $5.000000000e-01, v20;
	v52 =	vadd.f32 v47, v31  }
0x96: {  	v29 =	vld [tilespmem:s0+$0xC80];
	s2 =	sadd.s32 $0x40, s2;
	v31 =	vsub.f32 v31, v47;
	v60 =	vmin.f32 v49, v63;
	v33 =	vmax.f32 v59, v44  }
0x97: {  	v49 =	vld [tilespmem:s0+$0x2800];
	v54 =	vmin.f32 v54, v58;
	v50 =	vmax.f32 v50, v46;
	s26 =	smulhi.u32 $0x4924925, s2;
	vm0 =	vlt.f32 v60, v33  }
0x98: {  	v59 =	vld [tilespmem:s0+$0xD00];
	v61 =	vadd.f32 v51, v37;
	v51 =	vsub.f32 v37, v51;
	vm1 =	vlt.f32 v54, v50  }
0x99: {  	v50 =	vld [tilespmem:s0+$0x2480];
	v15 =	vsub.f32 v15, v45;
	v34 =	vmin.f32 v52, v63;
	v31 =	vmax.f32 v31, v44;
	s7 =	smul.u32 $0xFFFFFFF9, s26  }
0x9a: {  	s9 =	sshrl.u32 s2, $0x3;
	v60 =	vld [tilespmem:s0+$0x2B00];
	v63 =	vmul.f32 v20, v21;
	v33 =	vmin.f32 v61, v58;
	v46 =	vmax.f32 v51, v46  }
0x9b: {  	v26 =	vsub.f32 v26, v62;
	v62 =	vld [tilespmem:s0+$0x2C00];
	s26 =	smul.u32 $0x38000, s26;
	vm2 =	vlt.f32 v34, v31;
	vm3 =	vlt.f32 v33, v46;
	s7 =	sadd.s32 s9, s7  }
0x9c: {  	s2 =	sshll.u32 s2, $0xA;
	v45 =	vld [tilespmem:s0+$0x2D00];
	vm0 =	vmand vm0, vm1;
	v30 =	vadd.f32 v30, v63;
	vm14 =	vmand vm2, vm3;
	s7 =	sshll.u32 s7, $0xF  }
0x9d: {  	v24 =	vmul.f32 v24, v24;
	s2 =	sand.u32 $0x1C00, s2;
	v52 =	vld [tilespmem:s0+$0x2900];
	v54 =	vsel vm0, $0x3F800000, v0;
	v55 =	vsel vm14, $0x3F800000, v0;
	s7 =	sadd.s32 s26, s7  }
0x9e: {  	v22 =	vmul.f32 v22, v22;
	v51 =	vld [tilespmem:s0+$0xC00];
	v32 =	vsub.f32 v32, v54;
	v30 =	vsub.f32 v30, v55;
	s2 =	sor.u32 s2, s7  }
0x9f: {  	v25 =	vmul.f32 v25, v25;
	v23 =	vmul.f32 v23, v23;
	v31 =	vld [tilespmem:s0+$0x2400];
	s2 =	sshrl.u32 s2, $0x3  }
0xa0: {  	v22 =	vadd.f32 v22, v24;
	v61 =	vld [tilespmem:s0+$0x2B80];
	v58 =	vmul.f32 v32, v55;
	v34 =	vmul.f32 v30, v54;
	s9 =	sadd.s32 s1, s2  }
0xa1: {  	v23 =	vadd.f32 v23, v25;
	v18 =	vsub.f32 v18, v43;
	v63 =	vld [tilespmem:s0+$0x2C80];
	[tilespmem:s4], [sflag:$0x1] =	stream.strided.gather [hbm4b:s9+s16], $0xC00, s17, s16, $0x38  }
0xa2: {  	v19 =	vsub.f32 v37, v19;
	v30 =	vmul.f32 v30, v32;
	s0 =	sadd.s32 $0xC00, s9;
	v34 =	vsub.f32 v58, v34  }
0xa3: {  	v16 =	vsub.f32 v16, v48;
	v17 =	vsub.f32 v17, v35;
	v18 =	vmul.f32 v18, v18;
	[tilespmem:s18], [sflag:$0x1] =	stream.linear.gather [hbm4b:s0+s4], $0x300, $0x38;
	[tilespmem:$0x4080] =	vst v63  }
0xa4: {  	v14 =	vsub.f32 v14, v53;
	v15 =	vmul.f32 v15, v15;
	s26 =	sadd.s32 s3, s2;
	v30 =	vmul.f32 v34, v30  }
0xa5: {  	v36 =	vsub.f32 v38, v36;
	v16 =	vmul.f32 v16, v16;
	v17 =	vmul.f32 v17, v17;
	[tilespmem:s17], [sflag:$0x1] =	stream.strided.gather [hbm4b:s26+s16], $0xC00, s17, s16, $0x38;
	[tilespmem:$0x4080] =	vst v63  }
0xa6: {  	v14 =	vmul.f32 v14, v14;
	v26 =	vmul.f32 v26, v26;
	s0 =	sadd.s32 $0xC00, s26;
	vm15 =	vgt.f32 v30, $0.0e+00  }
0xa7: {  	v36 =	vmul.f32 v36, v36;
	v13 =	vsub.f32 v13, v49;
	v11 =	vsel vm15, v21, v11;
	[tilespmem:s19], [sflag:$0x1] =	stream.linear.gather [hbm4b:s0+s4], $0x300, $0x38;
	[tilespmem:$0x4080] =	vst v63  }
0xa8: {  	v10 =	vsel vm15, v31, v10;
	v20 =	vsel vm15, v20, v2;
	v12 =	vsel vm15, v50, v12;
	_ =	swait.ge [sflag:s25], $0xF00  }
0xa9: {  	v27 =	vsub.f32 v27, v52;
	v21 =	vmul.f32 v10, v11;
	v30 =	vmul.f32 v12, v20;
	[sflag:s25] =	ssyncset.done $0x0  }
0xaa: {  	v15 =	vadd.f32 v15, v18;
	v16 =	vadd.f32 v17, v16;
	v13 =	vmul.f32 v13, v13;
	[sflag:s25] =	ssyncadd.s32 $0xFFFFF100  }
0xab: {  	v27 =	vmul.f32 v27, v27;
	v46 =	vshrl.u32 v21, $0x1;
	v47 =	vshrl.u32 v30, $0x1;
	_ =	swait.ge [sflag:s25], $0xF00  }
0xac: {  	v2 =	vsub.f32 v39, v56;
	v33 =	vsub.s32 $0x5F3759DF, v46;
	v37 =	vsub.s32 $0x5F3759DF, v47;
	[sflag:s25] =	ssyncset.done $0x0  }
0xad: {  	v35 =	vsub.f32 v41, v60;
	s0 =	simm.s32 $0xFFFFFF80;
	v48 =	vmul.f32 v33, v21;
	v49 =	vmul.f32 v37, v30;
	[sflag:s25] =	ssyncadd.s32 $0xFFFFF100  }
0xae: {  	v50 =	vsub.f32 v51, v62;
	v51 =	vmul.f32 v2, v2;
	v2 =	vsub.f32 v29, v63;
	v54 =	vld [tilespmem:s0+$0x1280]  }
0xaf: {  	v31 =	vsub.f32 v40, v57;
	v39 =	vmul.f32 v33, v48;
	v40 =	vmul.f32 v37, v49;
	v25 =	vld [tilespmem:s0+$0x1500]  }
0xb0: {  	v32 =	vsub.f32 v42, v61;
	v13 =	vadd.f32 v13, v14;
	v55 =	vmul.f32 v2, v2;
	v2 =	vld [tilespmem:s0+$0x3280]  }
0xb1: {  	v14 =	vadd.f32 v27, v26;
	v27 =	vld [tilespmem:s0+$0x1D80];
	v29 =	vmul.f32 $3.000000000e+00, v39;
	v52 =	vmul.f32 $3.000000000e+00, v40  }
0xb2: {  	v38 =	vsub.f32 v59, v45;
	v15 =	vadd.f32 v16, v15;
	v35 =	vmul.f32 v35, v35;
	v56 =	vld [tilespmem:s0+$0x1E00]  }
0xb3: {  	v32 =	vmul.f32 v32, v32;
	v58 =	vld [tilespmem:s0+$0x1E80];
	v24 =	vsub.f32 $1.000000000e+01, v29;
	v29 =	vsub.f32 $1.000000000e+01, v52  }
0xb4: {  	v13 =	vadd.f32 v14, v13;
	v10 =	vadd.f32 v10, v11;
	v31 =	vmul.f32 v31, v31;
	v59 =	vld [tilespmem:s0+$0x1F00]  }
0xb5: {  	v8 =	vsel vm15, v8, v9;
	v60 =	vld [tilespmem:s0+$0x3D80];
	v18 =	vmul.f32 v24, v39;
	v24 =	vmul.f32 v29, v40  }
0xb6: {  	v53 =	vmul.f32 v50, v50;
	v9 =	vadd.f32 v10, v20;
	v17 =	vmul.f32 $1.250000000e-01, v33;
	v61 =	vld [tilespmem:s0+$0x3E80]  }
0xb7: {  	v26 =	vmul.f32 $1.250000000e-01, v37;
	v62 =	vld [tilespmem:s0+$0x3F00];
	v18 =	vsub.f32 $1.500000000e+01, v18;
	v24 =	vsub.f32 $1.500000000e+01, v24  }
0xb8: {  	v9 =	vadd.f32 v9, v12;
	v12 =	vadd.f32 v13, v15;
	v15 =	vld [tilespmem:s0+$0x1580];
	v29 =	vmul.f32 v38, v38  }
0xb9: {  	v57 =	vadd.f32 v51, v36;
	v13 =	vld [tilespmem:s0+$0x1600];
	v17 =	vmul.f32 v18, v17;
	v18 =	vmul.f32 v24, v26  }
0xba: {  	v31 =	vadd.f32 v35, v31;
	v20 =	vld [tilespmem:s0+$0x1800];
	v24 =	vadd.f32 v53, v32  }
0xbb: {  	v33 =	vld [tilespmem:s0+$0x1080];
	v26 =	vadd.f32 v29, v55;
	v11 =	vmul.f32 v17, v21;
	v16 =	vmul.f32 v18, v30  }
0xbc: {  	v14 =	vadd.f32 v31, v57;
	v35 =	vld [tilespmem:s0+$0x3080]  }
0xbd: {  	v31 =	vld [tilespmem:s0+$0x3100];
	v10 =	vadd.f32 v16, v11;
	v11 =	vsel vm15, v19, v28;
	v16 =	vadd.f32 v26, v24  }
0xbe: {  	v8 =	vmul.f32 v8, v8;
	v29 =	vld [tilespmem:s0+$0x1100];
	v11 =	vmul.f32 v11, v11  }
0xbf: {  	v7 =	vmul.f32 v7, v7;
	v21 =	vld [tilespmem:s0+$0x3E00];
	v10 =	vadd.f32 v10, v10;
	v14 =	vadd.f32 v16, v14  }
0xc0: {  	v6 =	vmul.f32 v6, v6;
	v30 =	vld [tilespmem:s0+$0x1300];
	v8 =	vadd.f32 v11, v8;
	v11 =	vadd.f32 v23, v22  }
0xc1: {  	v28 =	vld [tilespmem:s0+$0x3300];
	v9 =	vsub.f32 v9, v10;
	v12 =	vadd.f32 v14, v12  }
0xc2: {  	v10 =	vadd.f32 v6, v7;
	v14 =	vld [tilespmem:s0+$0x3200]  }
0xc3: {  	v8 =	vadd.f32 v9, v8;
	v9 =	vadd.f32 v11, v12;
	v11 =	vld [tilespmem:s0+$0x1180]  }
0xc4: {  	v5 =	vmul.f32 v10, v5;
	v10 =	vld [tilespmem:s0+$0x1200]  }
0xc5: {  	v6 =	vsel vm15, v6, v7;
	v12 =	vld [tilespmem:s0+$0x3180];
	v8 =	vmul.f32 $5.000000000e+00, v8  }
0xc6: {  	v18 =	vld [tilespmem:s0+$0x3380];
	v24 =	vsub.f32 v59, v62;
	v6 =	vmul.f32 v6, v3;
	v5 =	vmul.f32 $5.000000000e-01, v5  }
0xc7: {  	v17 =	vld [tilespmem:s0+$0x1780];
	v23 =	vsub.f32 v56, v21;
	v7 =	vadd.f32 v9, v8  }
0xc8: {  	v19 =	vld [tilespmem:s0+$0x1700];
	v5 =	vadd.f32 v6, v5;
	v6 =	vsub.f32 v25, v2  }
0xc9: {  	v26 =	vld [tilespmem:s0+$0x1880];
	v25 =	vsub.f32 v27, v60;
	v27 =	vsub.f32 v58, v61;
	v3 =	vmul.f32 v7, v3  }
0xca: {  	v16 =	vld [tilespmem:s0+$0x1680];
	v8 =	vsub.f32 v30, v28;
	v32 =	vmul.f32 v14, v12;
	v63 =	vmul.f32 v10, v11  }
0xcb: {  	v22 =	vld [tilespmem:s0+$0x1400];
	v37 =	vmul.f32 $5.000000000e-01, v14;
	v9 =	vsub.f32 v33, v35;
	v3 =	vadd.f32 v3, v5  }
0xcc: {  	v21 =	vld [tilespmem:s0+$0x1480];
	v36 =	vmul.f32 $5.000000000e-01, v12;
	v7 =	vsub.f32 v54, v2;
	v34 =	vadd.f32 v32, v63  }
0xcd: {  	s2 =	simm.s32 $0xFFFFFE40;
	v28 =	vld [tilespmem:s0+$0x1900];
	v5 =	vsub.f32 $1.000000000e+00, v2;
	v3 =	vadd.f32 v3, v4;
	v4 =	vimm.f32 $0.0e+00  }
.LBB2_5:
0xce: {  	p0 =	sne.s32 s2, $0xFFFFFFC0;
	v38 =	vld [tilespmem:s0+$0x1380];
	v39 =	vsub.f32 v35, v36;
	v35 =	vadd.f32 v36, v35;
	v36 =	vmul.f32 $5.000000000e-01, v11  }
0xcf: {  	v42 =	vmul.f32 $5.000000000e-01, v10;
	v40 =	vld [tilespmem:s0+$0x1980];
	v41 =	vsub.f32 v31, v37;
	v37 =	vadd.f32 v37, v31  }
0xd0: {  	v43 =	vld [tilespmem:s0+$0x1A00];
	v44 =	vadd.f32 v36, v33;
	v33 =	vsub.f32 v33, v36;
	v36 =	vmul.f32 $5.000000000e-01, v22  }
0xd1: {  	v46 =	vadd.f32 v42, v29;
	v42 =	vsub.f32 v29, v42;
	v45 =	vld [tilespmem:s0+$0x1A80];
	v47 =	vmul.f32 $5.000000000e-01, v21  }
0xd2: {  	v48 =	vld [tilespmem:s0+$0x1B00];
	v49 =	vadd.f32 v36, v30;
	v30 =	vsub.f32 v30, v36  }
0xd3: {  	v51 =	vmul.f32 v21, v22;
	v36 =	vld [tilespmem:s0+$0x1B80];
	v50 =	vadd.f32 v47, v38;
	v47 =	vsub.f32 v38, v47  }
0xd4: {  	v44 =	vmin.f32 v44, v35;
	v33 =	vmax.f32 v33, v39;
	v46 =	vmin.f32 v46, v37;
	v52 =	vld [tilespmem:s0+$0x3580]  }
0xd5: {  	v42 =	vmax.f32 v42, v41;
	v35 =	vmin.f32 v49, v35;
	v30 =	vmax.f32 v30, v39;
	v53 =	vld [tilespmem:s0+$0x3600]  }
0xd6: {  	vm0 =	vlt.f32 v44, v33;
	v33 =	vmin.f32 v50, v37;
	v37 =	vmax.f32 v47, v41;
	v39 =	vld [tilespmem:s0+$0x3680]  }
0xd7: {  	vm1 =	vlt.f32 v46, v42;
	vm2 =	vlt.f32 v35, v30;
	vm3 =	vlt.f32 v33, v37;
	v41 =	vld [tilespmem:s0+$0x3700]  }
0xd8: {  	v32 =	vadd.f32 v32, v51;
	vm0 =	vmand vm0, vm1;
	vm1 =	vmand vm2, vm3;
	v33 =	vld [tilespmem:s0+$0x3780]  }
0xd9: {  	v30 =	vsub.f32 v38, v18;
	v37 =	vsel vm0, $0x3F800000, v0;
	v42 =	vsel vm1, $0x3F800000, v0;
	v35 =	vld [tilespmem:s0+$0x3800]  }
0xda: {  	v34 =	vsub.f32 v34, v37;
	v32 =	vsub.f32 v32, v42;
	v18 =	vld [tilespmem:s0+$0x3880]  }
0xdb: {  	v29 =	vsub.f32 v29, v31;
	v15 =	vsub.f32 v15, v52;
	v38 =	vld [tilespmem:s0+$0x3900]  }
0xdc: {  	v42 =	vmul.f32 v34, v42;
	v13 =	vsub.f32 v13, v53;
	v37 =	vmul.f32 v32, v37;
	v31 =	vld [tilespmem:s0+$0x3980]  }
0xdd: {  	v16 =	vsub.f32 v16, v39;
	v19 =	vsub.f32 v19, v41;
	v44 =	vld [tilespmem:s0+$0x1C00]  }
0xde: {  	v32 =	vmul.f32 v32, v34;
	v37 =	vsub.f32 v42, v37;
	v17 =	vsub.f32 v17, v33;
	v39 =	vld [tilespmem:s0+$0x3400]  }
0xdf: {  	v20 =	vsub.f32 v20, v35;
	v33 =	vld [tilespmem:s0+$0x3480];
	v18 =	vsub.f32 v26, v18  }
0xe0: {  	v25 =	vmul.f32 v25, v25;
	v32 =	vmul.f32 v37, v32;
	v26 =	vld [tilespmem:s0+$0x3A00];
	v28 =	vsub.f32 v28, v38  }
0xe1: {  	v23 =	vmul.f32 v23, v23;
	v27 =	vmul.f32 v27, v27;
	v34 =	vld [tilespmem:s0+$0x3A80];
	v31 =	vsub.f32 v40, v31  }
0xe2: {  	v24 =	vmul.f32 v24, v24;
	v15 =	vmul.f32 v15, v15;
	vm0 =	vgt.f32 v32, $0.0e+00;
	v35 =	vld [tilespmem:s0+$0x1C80]  }
0xe3: {  	v13 =	vmul.f32 v13, v13;
	v16 =	vmul.f32 v16, v16;
	v11 =	vsel vm0, v22, v11;
	v32 =	vld [tilespmem:s0+$0x1D00]  }
0xe4: {  	v10 =	vsel vm0, v21, v10;
	v12 =	vsel vm0, v39, v12;
	v22 =	vld [tilespmem:s0+$0x3B00];
	v14 =	vsel vm0, v33, v14  }
0xe5: {  	v33 =	vmul.f32 v12, v11;
	v21 =	vld [tilespmem:s0+$0x3B80];
	v37 =	vmul.f32 v14, v10;
	v26 =	vsub.f32 v43, v26  }
0xe6: {  	v19 =	vmul.f32 v19, v19;
	v17 =	vmul.f32 v17, v17;
	v38 =	vld [tilespmem:s0+$0x3C00];
	v34 =	vsub.f32 v45, v34  }
0xe7: {  	v20 =	vmul.f32 v20, v20;
	v40 =	vshrl.u32 v33, $0x1;
	v39 =	vld [tilespmem:s0+$0x3C80];
	v41 =	vshrl.u32 v37, $0x1  }
0xe8: {  	v18 =	vmul.f32 v18, v18;
	v40 =	vsub.s32 $0x5F3759DF, v40;
	v42 =	vld [tilespmem:s0+$0x3D00];
	v41 =	vsub.s32 $0x5F3759DF, v41  }
0xe9: {  	s0 =	sshra.s32 s2, $0x2;
	v43 =	vmul.f32 v40, v33;
	v45 =	vmul.f32 v41, v37;
	v22 =	vsub.f32 v48, v22  }
0xea: {  	v28 =	vmul.f32 v28, v28;
	v31 =	vmul.f32 v31, v31;
	v46 =	vld [tilespmem:s0+$0x1280];
	v21 =	vsub.f32 v36, v21  }
0xeb: {  	v43 =	vmul.f32 v40, v43;
	v36 =	vld [tilespmem:s0+$0x1500];
	v45 =	vmul.f32 v41, v45;
	v38 =	vsub.f32 v44, v38  }
0xec: {  	v26 =	vmul.f32 v26, v26;
	v34 =	vmul.f32 v34, v34;
	v44 =	vld [tilespmem:s0+$0x3280];
	v35 =	vsub.f32 v35, v39  }
0xed: {  	v47 =	vmul.f32 $3.000000000e+00, v43;
	v39 =	vld [tilespmem:s0+$0x1D80];
	v48 =	vmul.f32 $3.000000000e+00, v45;
	v32 =	vsub.f32 v32, v42  }
0xee: {  	v23 =	vadd.f32 v23, v25;
	v22 =	vmul.f32 v22, v22;
	v21 =	vmul.f32 v21, v21;
	v42 =	vld [tilespmem:s0+$0x1E00]  }
0xef: {  	v38 =	vmul.f32 v38, v38;
	v25 =	vsub.f32 $1.000000000e+01, v47;
	v49 =	vld [tilespmem:s0+$0x1E80];
	v47 =	vsub.f32 $1.000000000e+01, v48  }
0xf0: {  	v24 =	vadd.f32 v24, v27;
	v13 =	vadd.f32 v13, v15;
	v35 =	vmul.f32 v35, v35;
	v48 =	vld [tilespmem:s0+$0x1F00]  }
0xf1: {  	v16 =	vadd.f32 v19, v16;
	v15 =	vmul.f32 v25, v43;
	v27 =	vld [tilespmem:s0+$0x3D80];
	v25 =	vmul.f32 v47, v45  }
0xf2: {  	v17 =	vadd.f32 v20, v17;
	v20 =	vadd.f32 v28, v18;
	v19 =	vmul.f32 $1.250000000e-01, v40;
	v43 =	vld [tilespmem:s0+$0x3E00]  }
0xf3: {  	v18 =	vmul.f32 $1.250000000e-01, v41;
	v15 =	vsub.f32 $1.500000000e+01, v15;
	v28 =	vld [tilespmem:s0+$0x3E80];
	v25 =	vsub.f32 $1.500000000e+01, v25  }
0xf4: {  	v26 =	vadd.f32 v26, v31;
	v22 =	vadd.f32 v22, v34;
	v32 =	vmul.f32 v32, v32;
	v40 =	vld [tilespmem:s0+$0x3F00]  }
0xf5: {  	v21 =	vadd.f32 v38, v21;
	v19 =	vmul.f32 v15, v19;
	v34 =	vld [tilespmem:s0+$0x3300];
	v25 =	vmul.f32 v25, v18  }
0xf6: {  	v31 =	vadd.f32 v32, v35;
	v32 =	vadd.f32 v16, v13;
	v18 =	vld [tilespmem:s0+$0x3380]  }
0xf7: {  	v11 =	vadd.f32 v12, v11;
	v12 =	vmul.f32 v19, v33;
	v15 =	vld [tilespmem:s0+$0x1580];
	v19 =	vmul.f32 v25, v37  }
0xf8: {  	v22 =	vadd.f32 v22, v26;
	v25 =	vmul.f32 v7, v7;
	v7 =	vadd.f32 v20, v17;
	v13 =	vld [tilespmem:s0+$0x1600]  }
0xf9: {  	v8 =	vsel vm0, v8, v9;
	v9 =	vadd.f32 v11, v10;
	v16 =	vld [tilespmem:s0+$0x1680];
	v10 =	vadd.f32 v19, v12  }
0xfa: {  	v8 =	vmul.f32 v8, v8;
	v11 =	vsel vm0, v30, v29;
	v12 =	vadd.f32 v31, v21;
	v19 =	vld [tilespmem:s0+$0x1700]  }
0xfb: {  	v11 =	vmul.f32 v11, v11;
	v9 =	vadd.f32 v9, v14;
	v17 =	vld [tilespmem:s0+$0x1780];
	v10 =	vadd.f32 v10, v10  }
0xfc: {  	v6 =	vmul.f32 v6, v6;
	v7 =	vadd.f32 v7, v32;
	v12 =	vadd.f32 v12, v22;
	v20 =	vld [tilespmem:s0+$0x1800]  }
0xfd: {  	v8 =	vadd.f32 v11, v8;
	v33 =	vld [tilespmem:s0+$0x1080];
	v9 =	vsub.f32 v9, v10  }
0xfe: {  	v14 =	vadd.f32 v6, v25;
	v21 =	vadd.f32 v24, v23;
	v30 =	vld [tilespmem:s0+$0x1300]  }
0xff: {  	v7 =	vadd.f32 v12, v7;
	v11 =	vld [tilespmem:s0+$0x1180];
	v8 =	vadd.f32 v9, v8  }
0x100: {  	v10 =	vld [tilespmem:s0+$0x1200]  }
0x101: {  	v9 =	vmul.f32 v14, v5;
	v21 =	vadd.f32 v21, v7;
	v12 =	vld [tilespmem:s0+$0x3180];
	v8 =	vmul.f32 $5.000000000e+00, v8  }
0x102: {  	v6 =	vsel vm0, v6, v25;
	v5 =	vsub.f32 $1.000000000e+00, v44;
	v7 =	vsub.f32 v46, v44;
	v14 =	vld [tilespmem:s0+$0x3200]  }
0x103: {  	v22 =	vmul.f32 v6, v2;
	v9 =	vmul.f32 $5.000000000e-01, v9;
	v35 =	vld [tilespmem:s0+$0x3080];
	v8 =	vadd.f32 v21, v8  }
0x104: {  	v25 =	vsub.f32 v39, v27;
	v6 =	vsub.f32 v36, v44;
	v26 =	vld [tilespmem:s0+$0x1880]  }
.Ltmp1:
0x105: {  	v23 =	vsub.f32 v42, v43;
	v9 =	vadd.f32 v22, v9;
	v29 =	vld [tilespmem:s0+$0x1100];
	v8 =	vmul.f32 v8, v2;
	v2 =	vmovc v44;
	(pc) =	sbr.rel @p0 .LBB2_5-.Ltmp1, $4  }
0x106: {  	v27 =	vsub.f32 v49, v28;
	v24 =	vsub.f32 v48, v40;
	v31 =	vld [tilespmem:s0+$0x3100]  }
0x107: {  	v38 =	vmul.f32 v10, v11;
	v22 =	vld [tilespmem:s0+$0x1400];
	v32 =	vmul.f32 v14, v12;
	v39 =	vadd.f32 v8, v9  }
0x108: {  	v36 =	vmul.f32 $5.000000000e-01, v12;
	v8 =	vsub.f32 v30, v34;
	v21 =	vld [tilespmem:s0+$0x1480];
	v9 =	vsub.f32 v33, v35  }
0x109: {  	s2 =	sadd.s32 $0x40, s2;
	v37 =	vmul.f32 $5.000000000e-01, v14;
	v28 =	vld [tilespmem:s0+$0x1900];
	v34 =	vadd.f32 v32, v38;
	v4 =	vadd.f32 v39, v4  }
0x10a: {  	v39 =	vsub.f32 v35, v36;
	v63 =	vadd.f32 v36, v35;
	v55 =	vmul.f32 $5.000000000e-01, v11  }
0x10b: {  	v38 =	vld [tilespmem:s0+$0x1380];
	v42 =	vmul.f32 $5.000000000e-01, v10;
	v41 =	vsub.f32 v31, v37;
	v56 =	vadd.f32 v37, v31  }
0x10c: {  	v44 =	vadd.f32 v55, v33;
	v57 =	vsub.f32 v33, v55;
	v58 =	vmul.f32 $5.000000000e-01, v22  }
0x10d: {  	v46 =	vadd.f32 v42, v29;
	v42 =	vsub.f32 v29, v42  }
0x10e: {  	v47 =	vmul.f32 $5.000000000e-01, v21;
	v51 =	vmul.f32 v21, v22;
	v49 =	vadd.f32 v58, v30  }
0x10f: {  	v59 =	vsub.f32 v30, v58;
	v44 =	vmin.f32 v44, v63;
	v33 =	vmax.f32 v57, v39  }
0x110: {  	v46 =	vmin.f32 v46, v56;
	v50 =	vadd.f32 v47, v38;
	v47 =	vsub.f32 v38, v47  }
0x111: {  	v42 =	vmax.f32 v42, v41;
	vm0 =	vlt.f32 v44, v33;
	v35 =	vmin.f32 v49, v63  }
0x112: {  	v40 =	vld [tilespmem:s0+$0x1980];
	v30 =	vmax.f32 v59, v39;
	v61 =	vmin.f32 v50, v56;
	v62 =	vmax.f32 v47, v41  }
0x113: {  	v52 =	vld [tilespmem:s0+$0x3580];
	vm1 =	vlt.f32 v46, v42;
	vm2 =	vlt.f32 v35, v30;
	vm3 =	vlt.f32 v61, v62  }
0x114: {  	v53 =	vld [tilespmem:s0+$0x3600];
	v32 =	vadd.f32 v32, v51;
	vm0 =	vmand vm0, vm1;
	vm14 =	vmand vm2, vm3  }
0x115: {  	v60 =	vld [tilespmem:s0+$0x3680];
	v51 =	vsel vm0, $0x3F800000, v0;
	v54 =	vsel vm14, $0x3F800000, v0  }
0x116: {  	v55 =	vld [tilespmem:s0+$0x3880];
	v34 =	vsub.f32 v34, v51;
	v32 =	vsub.f32 v32, v54  }
0x117: {  	v25 =	vmul.f32 v25, v25;
	v23 =	vmul.f32 v23, v23;
	v57 =	vld [tilespmem:s0+$0x3980]  }
0x118: {  	v58 =	vld [tilespmem:s0+$0x3400];
	v37 =	vmul.f32 v34, v54;
	v35 =	vmul.f32 v32, v51  }
0x119: {  	v27 =	vmul.f32 v27, v27;
	v29 =	vsub.f32 v29, v31;
	v63 =	vld [tilespmem:s0+$0x3700]  }
0x11a: {  	v23 =	vadd.f32 v23, v25;
	v49 =	vld [tilespmem:s0+$0x3780];
	v32 =	vmul.f32 v32, v34;
	v35 =	vsub.f32 v37, v35  }
0x11b: {  	v24 =	vmul.f32 v24, v24;
	v18 =	vsub.f32 v38, v18;
	v15 =	vsub.f32 v15, v52;
	v59 =	vld [tilespmem:s0+$0x3480]  }
0x11c: {  	v13 =	vsub.f32 v13, v53;
	v16 =	vsub.f32 v16, v60;
	v50 =	vld [tilespmem:s0+$0x3800];
	v32 =	vmul.f32 v35, v32  }
0x11d: {  	v42 =	vadd.f32 v24, v27;
	v56 =	vld [tilespmem:s0+$0x3900];
	v26 =	vsub.f32 v26, v55;
	v15 =	vmul.f32 v15, v15  }
0x11e: {  	v43 =	vld [tilespmem:s0+$0x1A00];
	v13 =	vmul.f32 v13, v13;
	v16 =	vmul.f32 v16, v16;
	vm15 =	vgt.f32 v32, $0.0e+00  }
0x11f: {  	v45 =	vld [tilespmem:s0+$0x1A80];
	v31 =	vsub.f32 v40, v57;
	v19 =	vsub.f32 v19, v63;
	v11 =	vsel vm15, v22, v11  }
0x120: {  	v60 =	vld [tilespmem:s0+$0x3A00];
	v12 =	vsel vm15, v58, v12;
	v10 =	vsel vm15, v21, v10;
	v14 =	vsel vm15, v59, v14  }
0x121: {  	v52 =	vld [tilespmem:s0+$0x3C80];
	v17 =	vsub.f32 v17, v49;
	v30 =	vmul.f32 v12, v11;
	v37 =	vmul.f32 v14, v10  }
0x122: {  	v61 =	vld [tilespmem:s0+$0x3A80];
	v26 =	vmul.f32 v26, v26;
	v20 =	vsub.f32 v20, v50;
	v28 =	vsub.f32 v28, v56  }
0x123: {  	v55 =	vld [tilespmem:s0+$0x3D00];
	v19 =	vmul.f32 v19, v19;
	v53 =	vshrl.u32 v30, $0x1;
	v54 =	vshrl.u32 v37, $0x1  }
0x124: {  	v62 =	vld [tilespmem:s0+$0x1C80];
	v17 =	vmul.f32 v17, v17;
	v40 =	vsub.s32 $0x5F3759DF, v53;
	v41 =	vsub.s32 $0x5F3759DF, v54  }
0x125: {  	v13 =	vadd.f32 v13, v15;
	v63 =	vld [tilespmem:s0+$0x1D00];
	v56 =	vmul.f32 v40, v30;
	v57 =	vmul.f32 v41, v37  }
0x126: {  	v44 =	vld [tilespmem:s0+$0x1C00];
	v33 =	vsub.f32 v43, v60;
	v20 =	vmul.f32 v20, v20;
	v28 =	vmul.f32 v28, v28  }
0x127: {  	v51 =	vld [tilespmem:s0+$0x3C00];
	v34 =	vsub.f32 v45, v61;
	v58 =	vmul.f32 v40, v56;
	v59 =	vmul.f32 v41, v57  }
0x128: {  	v48 =	vld [tilespmem:s0+$0x1B00];
	v7 =	vmul.f32 v7, v7;
	v16 =	vadd.f32 v19, v16;
	v17 =	vadd.f32 v20, v17  }
0x129: {  	v49 =	vld [tilespmem:s0+$0x3B00];
	v47 =	vadd.f32 v28, v26;
	v60 =	vmul.f32 $3.000000000e+00, v58;
	v61 =	vmul.f32 $3.000000000e+00, v59  }
0x12a: {  	v36 =	vld [tilespmem:s0+$0x1B80];
	v31 =	vmul.f32 v31, v31;
	v35 =	vsub.f32 v62, v52;
	v32 =	vsub.f32 v63, v55  }
0x12b: {  	v50 =	vld [tilespmem:s0+$0x3B80];
	v33 =	vmul.f32 v33, v33;
	v62 =	vsub.f32 $1.000000000e+01, v60;
	v63 =	vsub.f32 $1.000000000e+01, v61  }
0x12c: {  	v34 =	vmul.f32 v34, v34;
	v13 =	vadd.f32 v16, v13;
	v38 =	vsub.f32 v44, v51  }
0x12d: {  	v17 =	vadd.f32 v47, v17;
	v44 =	vmul.f32 v62, v58;
	v45 =	vmul.f32 v63, v59  }
0x12e: {  	v35 =	vmul.f32 v35, v35;
	v22 =	vsub.f32 v48, v49;
	v46 =	vmul.f32 $1.250000000e-01, v40  }
0x12f: {  	v48 =	vmul.f32 $1.250000000e-01, v41;
	v24 =	vsub.f32 $1.500000000e+01, v44;
	v25 =	vsub.f32 $1.500000000e+01, v45  }
0x130: {  	v21 =	vsub.f32 v36, v50;
	v38 =	vmul.f32 v38, v38;
	v49 =	vmul.f32 v32, v32  }
0x131: {  	v50 =	vadd.f32 v33, v31;
	v19 =	vmul.f32 v24, v46;
	v51 =	vmul.f32 v25, v48  }
0x132: {  	v11 =	vadd.f32 v12, v11;
	v22 =	vmul.f32 v22, v22;
	v21 =	vmul.f32 v21, v21  }
0x133: {  	v52 =	vadd.f32 v49, v35;
	v53 =	vmul.f32 v19, v30;
	v54 =	vmul.f32 v51, v37  }
0x134: {  	v8 =	vsel vm15, v8, v9;
	v22 =	vadd.f32 v22, v34;
	v21 =	vadd.f32 v38, v21  }
0x135: {  	s9 =	smin.u32 s31, $0x127;
	v8 =	vmul.f32 v8, v8;
	v56 =	vadd.f32 v11, v10;
	v57 =	vadd.f32 v54, v53  }
0x136: {  	s0 =	sadd.s32 $0x60, s9;
	v55 =	vadd.f32 v22, v50;
	v58 =	vsel vm15, v18, v29;
	v59 =	vadd.f32 v52, v21  }
0x137: {  	s2 =	smulhi.u32 $0x4924925, s0;
	v9 =	vadd.f32 v56, v14;
	v11 =	vmul.f32 v58, v58;
	v10 =	vadd.f32 v57, v57  }
0x138: {  	v6 =	vmul.f32 v6, v6;
	v13 =	vadd.f32 v17, v13;
	v12 =	vadd.f32 v59, v55  }
0x139: {  	s7 =	smul.u32 $0xFFFFFFF9, s2;
	v8 =	vadd.f32 v11, v8;
	v9 =	vsub.f32 v9, v10  }
0x13a: {  	s9 =	sshrl.u32 s0, $0x3;
	v60 =	vadd.f32 v6, v7;
	v61 =	vadd.f32 v42, v23  }
0x13b: {  	s2 =	smul.u32 $0x38000, s2;
	s7 =	sadd.s32 s9, s7;
	v12 =	vadd.f32 v12, v13;
	v8 =	vadd.f32 v9, v8  }
0x13c: {  	s0 =	sshll.u32 s0, $0xA;
	s7 =	sshll.u32 s7, $0xF  }
0x13d: {  	s0 =	sand.u32 $0x1C00, s0;
	s2 =	sadd.s32 s2, s7;
	v5 =	vmul.f32 v60, v5;
	v62 =	vadd.f32 v61, v12;
	v8 =	vmul.f32 $5.000000000e+00, v8  }
0x13e: {  	s0 =	sor.u32 s0, s2;
	v6 =	vsel vm15, v6, v7  }
0x13f: {  	s0 =	sshrl.u32 s0, $0x3;
	v6 =	vmul.f32 v6, v2;
	v5 =	vmul.f32 $5.000000000e-01, v5;
	v63 =	vadd.f32 v62, v8  }
0x140: {  	p0 =	slt.u32 s31, $0x188;
	s30 =	sadd.s32 $0x1, s30;
	s26 =	sadd.s32 s1, s0  }
0x141: {  	[tilespmem:s20], [sflag:$0x2] =	stream.strided.gather [hbm4b:s26+s16], $0xC00, s17, s16, $0x38;
	v5 =	vadd.f32 v6, v5;
	v2 =	vmul.f32 v63, v2;
	[tilespmem:$0x4080] =	vst v63  }
0x142: {  	v3 =	vpsel !p0, $0x0, v3;
	p0 =	sne.s32 s30, $0x7;
	s2 =	sadd.s32 $0xC00, s26  }
0x143: {  	[tilespmem:s21], [sflag:$0x2] =	stream.linear.gather [hbm4b:s2+s4], $0x300, $0x38;
	v2 =	vadd.f32 v2, v5;
	[tilespmem:$0x4080] =	vst v63  }
.Ltmp2:
0x144: {  	_ = 	snop;
	(pc) =	sbr.rel @p0 .LBB2_2-.Ltmp2, $4  }
0x145: {  	p6 =	slt.u32 s31, $0x168;
	s0 =	sadd.s32 s3, s0;
	v2 =	vadd.f32 v2, v4  }
0x146: {  	v1 =	vadd.f32 v3, v1;
	[tilespmem:s22], [sflag:$0x2] =	stream.strided.gather [hbm4b:s0+s16], $0xC00, s17, s16, $0x38;
	[tilespmem:$0x4080] =	vst v63  }
0x147: {  	s0 =	sadd.s32 $0xC00, s0;
	v2 =	vpsel !p6, $0x0, v2  }
0x148: {  	[tilespmem:s23], [sflag:$0x2] =	stream.linear.gather [hbm4b:s0+s4], $0x300, $0x38;
	v1 =	vadd.f32 v2, v1;
	[tilespmem:$0x4080] =	vst v63  }
0x149: {  	_ =	swait.ge [sflag:s24], $0xF00  }
0x14a: {  	[sflag:s24] =	ssyncset.done $0x0  }
0x14b: {  	[sflag:s24] =	ssyncadd.s32 $0xFFFFF100  }
0x14c: {  	_ =	swait.ge [sflag:s24], $0xF00  }
0x14d: {  	[sflag:s24] =	ssyncset.done $0x0  }
0x14e: {  	[sflag:s24] =	ssyncadd.s32 $0xFFFFF100  }
0x14f: {  	_ =	swait.ge [sflag:s25], $0xF00  }
0x150: {  	[sflag:s25] =	ssyncset.done $0x0  }
0x151: {  	[sflag:s25] =	ssyncadd.s32 $0xFFFFF100  }
0x152: {  	_ =	swait.ge [sflag:s25], $0xF00  }
0x153: {  	s29 =	sadd.s32 $0x1, s29;
	[sflag:s25] =	ssyncset.done $0x0  }
0x154: {  	p0 =	sne.s32 s29, s15;
	[sflag:s25] =	ssyncadd.s32 $0xFFFFF100  }
.Ltmp3:
0x155: {  	s0 =	simm.s32 $0x4000;
	[tilespmem:$0x4000] =	vst v1;
	(pc) =	sbr.rel @p0 .LBB2_1-.Ltmp3, $4  }
0x156: {  	[hbm4b:s14+s4] =	stream.linear.scatter [tilespmem:s0], [sflag:$0x3], $0x80, $0x38;
	[tilespmem:$0x4080] =	vst v63  }
0x157: {  	_ =	swait.ge [sflag:s28], $0x80  }
0x158: {  	[sflag:s28] =	ssyncset.done $0x0  }
0x159: {  	[sflag:s28] =	ssyncadd.s32 $0xFFFFFF80  }
0x15a: {  	_ =	sfence.sel $0x180000  }
0x15b: {  	[bflag:$0x0] =	sbarrier.arrive $0xFFFF  }
0x15c: {  	_ =	strace $0x90000047  }
0x15d: {  	s0 =	stileid.u32;
	[bflag:$0x2] =	sbarrier.arrive $0xFFFF  }
0x15e: {  	p0 =	sne.s32 s0, $0x0;
	s0 =	rddreg [dreg:$0x3]  }
0x15f: {  	s0 =	sadd.s32 @!p0 $0x100000, s0  }
0x160: {  	[sflag:s0] =	ssyncadd.tile.s32 @!p0 $0x1;
	_ =	shalt  }
.Lfunc_end2:
_tile_overlayer_lowered:
.L_overlay_start_2:
0x161: {  	(tag) =	ssettag $0x2  }
0x162: {  	s0 =	rddreg [dreg:$0x0];
	s2 =	stileid.u32  }
0x163: {  	s1 =	rddreg [dreg:$0x1];
	p0 =	sne.s32 s2, $0x0  }
0x164: {  	s3 =	rddreg [dreg:$0x2];
	[bflag:$0x3] =	sbarrier.arrive $0xFFFF;
	s2 =	simm.s32 @!p0 $0x1C03  }
0x165: {  	[timem:s3], [sflag:s2] =	dma.local @!p0 [hbm:s0], s1  }
0x166: {  	s0 =	simm.s32 @!p0 $0x3  }
0x167: {  	_ =	swait.ge @!p0 [sflag:s0], s1  }
0x168: {  	s1 =	ssub.s32 @!p0 $0x0, s1;
	[sflag:s0] =	ssyncset.done @!p0 $0x0  }
0x169: {  	[sflag:s0] =	ssyncadd.s32 @!p0 s1  }
0x16a: {  	[bflag:$0x3] =	sbarrier.arrive $0xFFFF  }
0x16b: {  	_ =	shalt  }

</sc_bundles>
